<compile_context>
chip_gen: v7x
topology: tpu7x:2x2x1
jax: 0.10.2.dev20260603
libtpu: 0.0.44.dev20260713+nightly
codegen_flags: <defaults>
</compile_context>

<pallas_src>
import functools

import jax
import jax.numpy as jnp
from jax import lax
from jax.experimental import pallas as pl
from jax.experimental.pallas import tpu as pltpu
from jax.experimental.pallas import tpu_sc as plsc

HIDDEN = 2048
NUM_TOKENS = 4096
NUM_ROWS = 16384

NUM_CORES = 2
NUM_SUBCORES = 16
NUM_WORKERS = NUM_CORES * NUM_SUBCORES
PER_WORKER = NUM_TOKENS // NUM_WORKERS
CHUNK = 16
NUM_CHUNKS = PER_WORKER // CHUNK


NBUF = 3


def _scatter_body(image_hbm, idx_hbm, src_hbm, out_hbm, idx_v, src_v,
                  rows_a, rows_b, rows_c, gsem, ssem):
    wid = lax.axis_index("s") * NUM_CORES + lax.axis_index("c")
    pltpu.sync_copy(idx_hbm.at[wid], idx_v)
    pltpu.sync_copy(src_hbm.at[wid], src_v)
    bufs = (rows_a, rows_b, rows_c)
    gathers = [None] * NUM_CHUNKS
    scatters = [None] * NUM_CHUNKS
    for c in range(min(NBUF, NUM_CHUNKS)):
        gathers[c] = pltpu.async_copy(
            image_hbm.at[src_v.at[c]], bufs[c % NBUF], gsem)
    for c in range(NUM_CHUNKS):
        gathers[c].wait()
        scatters[c] = pltpu.async_copy(
            bufs[c % NBUF], out_hbm.at[idx_v.at[c]], ssem)
        n = c + NBUF
        if n < NUM_CHUNKS:
            scatters[c].wait()
            gathers[n] = pltpu.async_copy(
                image_hbm.at[src_v.at[n]], bufs[n % NBUF], gsem)
    for c in range(max(NUM_CHUNKS - NBUF, 0), NUM_CHUNKS):
        scatters[c].wait()


@functools.cache
def _get_scatter():
    return pl.kernel(
        _scatter_body,
        out_type=(),
        mesh=plsc.VectorSubcoreMesh(
            core_axis_name="c",
            subcore_axis_name="s",
            num_cores=NUM_CORES,
            num_subcores=NUM_SUBCORES,
        ),
        scratch_types=[
            pltpu.VMEM((NUM_CHUNKS, CHUNK), jnp.int32),
            pltpu.VMEM((NUM_CHUNKS, CHUNK), jnp.int32),
            pltpu.VMEM((CHUNK, HIDDEN), jnp.float32),
            pltpu.VMEM((CHUNK, HIDDEN), jnp.float32),
            pltpu.VMEM((CHUNK, HIDDEN), jnp.float32),
            pltpu.SemaphoreType.DMA,
            pltpu.SemaphoreType.DMA,
        ],
    )


def kernel(image_embeddings, text_embeddings, vision_indices):
    batch, seq_len, hidden = text_embeddings.shape
    flat = jnp.reshape(text_embeddings, (batch * seq_len, hidden))
    idx = vision_indices.astype(jnp.int32)
    iota = jnp.arange(NUM_TOKENS, dtype=jnp.int32)
    nxt = jnp.concatenate([idx[1:], jnp.full((1,), -1, jnp.int32)])
    src = lax.cummin(
        jnp.where(idx != nxt, iota, jnp.int32(NUM_TOKENS)), axis=0, reverse=True
    ).astype(jnp.int32)
    idx3 = jnp.reshape(idx, (NUM_WORKERS, NUM_CHUNKS, CHUNK))
    src3 = jnp.reshape(src, (NUM_WORKERS, NUM_CHUNKS, CHUNK))
    out_ref = jax.new_ref(flat)
    _get_scatter()(image_embeddings, idx3, src3, out_ref)
    return jnp.reshape(out_ref[...], (batch, seq_len, hidden))

# --- scband reference (transcript-rebuilt; emitter-appended) ---
"""Pipeline reference for scband-qwen3-5-interleave-embeddings-15788299780450 (READ-ONLY COPY).

The authoritative reference and input builder live on the scoring server;
editing this copy changes nothing except your own understanding.
"""

import jax, jax.numpy as jnp
import numpy as np

HIDDEN_DIM = 2048
BATCH = 4
SEQ_LEN = 4096
NUM_VISION_TOKENS = 4096


def setup_inputs(seed: int = 0) -> dict:
    key = jax.random.key(seed)
    k1, k2, k3 = jax.random.split(key, 3)
    image_embeddings = jax.random.normal(k1, (NUM_VISION_TOKENS, HIDDEN_DIM), dtype=jnp.float32)
    text_embeddings = jax.random.normal(k2, (BATCH, SEQ_LEN, HIDDEN_DIM), dtype=jnp.float32)
    vision_indices = jnp.sort(
        jax.random.randint(k3, (NUM_VISION_TOKENS,), 0, BATCH * SEQ_LEN, dtype=jnp.int32)
    )
    return {
        "image_embeddings": image_embeddings,
        "text_embeddings": text_embeddings,
        "vision_indices": vision_indices,
    }


def reference(image_embeddings, text_embeddings, vision_indices):
    # Faithful translation of Qwen3_5InterleaveEmbeddings.call (unbatched image path).
    batch_size = text_embeddings.shape[0]
    seq_len = text_embeddings.shape[1]
    hidden_dim = text_embeddings.shape[2]
    # image_embeddings already (total_vision_tokens, hidden_dim); indices already 1-D.
    flat_text = jnp.reshape(text_embeddings, (-1, hidden_dim))
    idx = vision_indices.astype(jnp.int32)
    # ops.scatter_update(flat_text, idx[:, None], image_embeddings) -> row overwrite
    flat_out = flat_text.at[idx].set(image_embeddings)
    return jnp.reshape(flat_out, (batch_size, seq_len, hidden_dim))

if __name__ == "__main__":
    import jax
    _d = setup_inputs()
    print(jax.jit(kernel)(*tuple(_d.values())))

</pallas_src>

<mosaic_0001>
#map = affine_map<(d0, d1) -> (0, 0)>
#map1 = affine_map<(d0, d1) -> (0, 0, 0)>
module attributes {stable_mosaic.version = 14 : i64} {
  func.func @new_body(%arg0: i32, %arg1: i32, %arg2: memref<4096x2048xf32, #tpu.memory_space<hbm>>, %arg3: memref<32x8x16xi32, #tpu.memory_space<hbm>>, %arg4: memref<32x8x16xi32, #tpu.memory_space<hbm>>, %arg5: memref<16384x2048xf32, #tpu.memory_space<hbm>>, %arg6: memref<16384x2048xf32, #tpu.memory_space<hbm>>, %arg7: memref<8x16xi32, #tpu.memory_space<vmem>>, %arg8: memref<8x16xi32, #tpu.memory_space<vmem>>, %arg9: memref<16x2048xf32, #tpu.memory_space<vmem>>, %arg10: memref<16x2048xf32, #tpu.memory_space<vmem>>, %arg11: memref<16x2048xf32, #tpu.memory_space<vmem>>, %arg12: memref<!tpu.dma_semaphore, #tpu.memory_space<semaphore_mem>>, %arg13: memref<!tpu.dma_semaphore, #tpu.memory_space<semaphore_mem>>) attributes {dimension_semantics = [#tpu.dimension_semantics<core_parallel>, #tpu.dimension_semantics<subcore_parallel>], iteration_bounds = array<i64: 2, 16>, scalar_prefetch = 0 : i64, scratch_operands = 7 : i64, tpu.core_type = #tpu.core_type<sc_vector_subcore>, window_params = [{transform_indices = #map}, {transform_indices = #map1}, {transform_indices = #map1}, {transform_indices = #map}, {transform_indices = #map}]} {
    %mul3A = arith.constant 2 : i32
    %mul3A_0 = arith.muli %arg1, %mul3A : i32
    %add3A = arith.addi %mul3A_0, %arg0 : i32
    "tpu.region"() ({
      %run_scoped3A = tpu.sem_alloc : memref<!tpu.dma_semaphore, #tpu.memory_space<semaphore_mem>>
      %dma_start3A_223 = arith.constant 0 : i32
      %dma_start3A_224 = arith.constant 0 : i32
      %dma_start3A_225 = tpu.memref_slice %arg3[%add3A, %dma_start3A_223, %dma_start3A_224] : memref<32x8x16xi32, #tpu.memory_space<hbm>> -> memref<1x8x16xi32, #tpu.memory_space<hbm>>
      %dma_start3A_226 = tpu.memref_squeeze %dma_start3A_225 : memref<1x8x16xi32, #tpu.memory_space<hbm>> -> memref<8x16xi32, #tpu.memory_space<hbm>>
      %dma_start3A_227 = arith.constant 0 : i32
      %dma_start3A_228 = arith.constant 0 : i32
      %dma_start3A_229 = tpu.memref_slice %arg3[%add3A, %dma_start3A_227, %dma_start3A_228] : memref<32x8x16xi32, #tpu.memory_space<hbm>> -> memref<1x8x16xi32, #tpu.memory_space<hbm>>
      %dma_start3A_230 = tpu.memref_squeeze %dma_start3A_229 : memref<1x8x16xi32, #tpu.memory_space<hbm>> -> memref<8x16xi32, #tpu.memory_space<hbm>>
      tpu.enqueue_dma source(%dma_start3A_230 : memref<8x16xi32, #tpu.memory_space<hbm>>) target(%arg7 : memref<8x16xi32, #tpu.memory_space<vmem>>) target_semaphore(%run_scoped3A : memref<!tpu.dma_semaphore, #tpu.memory_space<semaphore_mem>>)
      %dma_wait3A_231 = arith.constant 0 : i32
      %dma_wait3A_232 = arith.constant 0 : i32
      %dma_wait3A_233 = tpu.memref_slice %arg3[%add3A, %dma_wait3A_231, %dma_wait3A_232] : memref<32x8x16xi32, #tpu.memory_space<hbm>> -> memref<1x8x16xi32, #tpu.memory_space<hbm>>
      %dma_wait3A_234 = tpu.memref_squeeze %dma_wait3A_233 : memref<1x8x16xi32, #tpu.memory_space<hbm>> -> memref<8x16xi32, #tpu.memory_space<hbm>>
      %dma_wait3A_235 = arith.constant 0 : i32
      %dma_wait3A_236 = arith.constant 0 : i32
      %dma_wait3A_237 = tpu.memref_slice %arg3[%add3A, %dma_wait3A_235, %dma_wait3A_236] : memref<32x8x16xi32, #tpu.memory_space<hbm>> -> memref<1x8x16xi32, #tpu.memory_space<hbm>>
      %dma_wait3A_238 = tpu.memref_squeeze %dma_wait3A_237 : memref<1x8x16xi32, #tpu.memory_space<hbm>> -> memref<8x16xi32, #tpu.memory_space<hbm>>
      tpu.wait_dma2 semaphore(%run_scoped3A : memref<!tpu.dma_semaphore, #tpu.memory_space<semaphore_mem>>) src(%dma_wait3A_238 : memref<8x16xi32, #tpu.memory_space<hbm>>) dst(%arg7 : memref<8x16xi32, #tpu.memory_space<vmem>>)
      tpu.yield
    }) : () -> ()
    "tpu.region"() ({
      %run_scoped3A = tpu.sem_alloc : memref<!tpu.dma_semaphore, #tpu.memory_space<semaphore_mem>>
      %dma_start3A_223 = arith.constant 0 : i32
      %dma_start3A_224 = arith.constant 0 : i32
      %dma_start3A_225 = tpu.memref_slice %arg4[%add3A, %dma_start3A_223, %dma_start3A_224] : memref<32x8x16xi32, #tpu.memory_space<hbm>> -> memref<1x8x16xi32, #tpu.memory_space<hbm>>
      %dma_start3A_226 = tpu.memref_squeeze %dma_start3A_225 : memref<1x8x16xi32, #tpu.memory_space<hbm>> -> memref<8x16xi32, #tpu.memory_space<hbm>>
      %dma_start3A_227 = arith.constant 0 : i32
      %dma_start3A_228 = arith.constant 0 : i32
      %dma_start3A_229 = tpu.memref_slice %arg4[%add3A, %dma_start3A_227, %dma_start3A_228] : memref<32x8x16xi32, #tpu.memory_space<hbm>> -> memref<1x8x16xi32, #tpu.memory_space<hbm>>
      %dma_start3A_230 = tpu.memref_squeeze %dma_start3A_229 : memref<1x8x16xi32, #tpu.memory_space<hbm>> -> memref<8x16xi32, #tpu.memory_space<hbm>>
      tpu.enqueue_dma source(%dma_start3A_230 : memref<8x16xi32, #tpu.memory_space<hbm>>) target(%arg8 : memref<8x16xi32, #tpu.memory_space<vmem>>) target_semaphore(%run_scoped3A : memref<!tpu.dma_semaphore, #tpu.memory_space<semaphore_mem>>)
      %dma_wait3A_231 = arith.constant 0 : i32
      %dma_wait3A_232 = arith.constant 0 : i32
      %dma_wait3A_233 = tpu.memref_slice %arg4[%add3A, %dma_wait3A_231, %dma_wait3A_232] : memref<32x8x16xi32, #tpu.memory_space<hbm>> -> memref<1x8x16xi32, #tpu.memory_space<hbm>>
      %dma_wait3A_234 = tpu.memref_squeeze %dma_wait3A_233 : memref<1x8x16xi32, #tpu.memory_space<hbm>> -> memref<8x16xi32, #tpu.memory_space<hbm>>
      %dma_wait3A_235 = arith.constant 0 : i32
      %dma_wait3A_236 = arith.constant 0 : i32
      %dma_wait3A_237 = tpu.memref_slice %arg4[%add3A, %dma_wait3A_235, %dma_wait3A_236] : memref<32x8x16xi32, #tpu.memory_space<hbm>> -> memref<1x8x16xi32, #tpu.memory_space<hbm>>
      %dma_wait3A_238 = tpu.memref_squeeze %dma_wait3A_237 : memref<1x8x16xi32, #tpu.memory_space<hbm>> -> memref<8x16xi32, #tpu.memory_space<hbm>>
      tpu.wait_dma2 semaphore(%run_scoped3A : memref<!tpu.dma_semaphore, #tpu.memory_space<semaphore_mem>>) src(%dma_wait3A_238 : memref<8x16xi32, #tpu.memory_space<hbm>>) dst(%arg8 : memref<8x16xi32, #tpu.memory_space<vmem>>)
      tpu.yield
    }) : () -> ()
    %dma_start3A = arith.constant 0 : i32
    %dma_start3A_1 = arith.constant 0 : i32
    %dma_start3A_2 = tpu.memref_slice %arg8[%dma_start3A, %dma_start3A_1] : memref<8x16xi32, #tpu.memory_space<vmem>> -> memref<1x16xi32, #tpu.memory_space<vmem>>
    %dma_start3A_3 = tpu.memref_squeeze %dma_start3A_2 : memref<1x16xi32, #tpu.memory_space<vmem>> -> memref<16xi32, #tpu.memory_space<vmem>>
    %dma_start3A_4 = arith.constant 0 : i32
    %dma_start3A_5 = arith.constant 0 : i32
    %dma_start3A_6 = tpu.memref_slice %arg2[%dma_start3A_4, %dma_start3A_5] : memref<4096x2048xf32, #tpu.memory_space<hbm>> -> memref<4096x2048xf32, #tpu.memory_space<hbm>>
    tpu.enqueue_indirect_dma source(%dma_start3A_6 : memref<4096x2048xf32, #tpu.memory_space<hbm>>) target(%arg9 : memref<16x2048xf32, #tpu.memory_space<vmem>>) offsets(%dma_start3A_3 : memref<16xi32, #tpu.memory_space<vmem>>) semaphore(%arg12 : memref<!tpu.dma_semaphore, #tpu.memory_space<semaphore_mem>>)
    %dma_start3A_7 = arith.constant 1 : i32
    %dma_start3A_8 = arith.constant 0 : i32
    %dma_start3A_9 = tpu.memref_slice %arg8[%dma_start3A_7, %dma_start3A_8] : memref<8x16xi32, #tpu.memory_space<vmem>> -> memref<1x16xi32, #tpu.memory_space<vmem>>
    %dma_start3A_10 = tpu.memref_squeeze %dma_start3A_9 : memref<1x16xi32, #tpu.memory_space<vmem>> -> memref<16xi32, #tpu.memory_space<vmem>>
    %dma_start3A_11 = arith.constant 0 : i32
    %dma_start3A_12 = arith.constant 0 : i32
    %dma_start3A_13 = tpu.memref_slice %arg2[%dma_start3A_11, %dma_start3A_12] : memref<4096x2048xf32, #tpu.memory_space<hbm>> -> memref<4096x2048xf32, #tpu.memory_space<hbm>>
    tpu.enqueue_indirect_dma source(%dma_start3A_13 : memref<4096x2048xf32, #tpu.memory_space<hbm>>) target(%arg10 : memref<16x2048xf32, #tpu.memory_space<vmem>>) offsets(%dma_start3A_10 : memref<16xi32, #tpu.memory_space<vmem>>) semaphore(%arg12 : memref<!tpu.dma_semaphore, #tpu.memory_space<semaphore_mem>>)
    %dma_start3A_14 = arith.constant 2 : i32
    %dma_start3A_15 = arith.constant 0 : i32
    %dma_start3A_16 = tpu.memref_slice %arg8[%dma_start3A_14, %dma_start3A_15] : memref<8x16xi32, #tpu.memory_space<vmem>> -> memref<1x16xi32, #tpu.memory_space<vmem>>
    %dma_start3A_17 = tpu.memref_squeeze %dma_start3A_16 : memref<1x16xi32, #tpu.memory_space<vmem>> -> memref<16xi32, #tpu.memory_space<vmem>>
    %dma_start3A_18 = arith.constant 0 : i32
    %dma_start3A_19 = arith.constant 0 : i32
    %dma_start3A_20 = tpu.memref_slice %arg2[%dma_start3A_18, %dma_start3A_19] : memref<4096x2048xf32, #tpu.memory_space<hbm>> -> memref<4096x2048xf32, #tpu.memory_space<hbm>>
    tpu.enqueue_indirect_dma source(%dma_start3A_20 : memref<4096x2048xf32, #tpu.memory_space<hbm>>) target(%arg11 : memref<16x2048xf32, #tpu.memory_space<vmem>>) offsets(%dma_start3A_17 : memref<16xi32, #tpu.memory_space<vmem>>) semaphore(%arg12 : memref<!tpu.dma_semaphore, #tpu.memory_space<semaphore_mem>>)
    %dma_wait3A = arith.constant 0 : i32
    %dma_wait3A_21 = arith.constant 0 : i32
    %dma_wait3A_22 = tpu.memref_slice %arg8[%dma_wait3A, %dma_wait3A_21] : memref<8x16xi32, #tpu.memory_space<vmem>> -> memref<1x16xi32, #tpu.memory_space<vmem>>
    %dma_wait3A_23 = tpu.memref_squeeze %dma_wait3A_22 : memref<1x16xi32, #tpu.memory_space<vmem>> -> memref<16xi32, #tpu.memory_space<vmem>>
    %dma_wait3A_24 = arith.constant 0 : i32
    %dma_wait3A_25 = arith.constant 0 : i32
    %dma_wait3A_26 = tpu.memref_slice %arg2[%dma_wait3A_24, %dma_wait3A_25] : memref<4096x2048xf32, #tpu.memory_space<hbm>> -> memref<4096x2048xf32, #tpu.memory_space<hbm>>
    tpu.wait_indirect_dma semaphore(%arg12 : memref<!tpu.dma_semaphore, #tpu.memory_space<semaphore_mem>>) src(%dma_wait3A_26 : memref<4096x2048xf32, #tpu.memory_space<hbm>>) dst(%arg9 : memref<16x2048xf32, #tpu.memory_space<vmem>>)
    %dma_start3A_27 = arith.constant 0 : i32
    %dma_start3A_28 = arith.constant 0 : i32
    %dma_start3A_29 = tpu.memref_slice %arg7[%dma_start3A_27, %dma_start3A_28] : memref<8x16xi32, #tpu.memory_space<vmem>> -> memref<1x16xi32, #tpu.memory_space<vmem>>
    %dma_start3A_30 = tpu.memref_squeeze %dma_start3A_29 : memref<1x16xi32, #tpu.memory_space<vmem>> -> memref<16xi32, #tpu.memory_space<vmem>>
    %dma_start3A_31 = arith.constant 0 : i32
    %dma_start3A_32 = arith.constant 0 : i32
    %dma_start3A_33 = tpu.memref_slice %arg5[%dma_start3A_31, %dma_start3A_32] : memref<16384x2048xf32, #tpu.memory_space<hbm>> -> memref<16384x2048xf32, #tpu.memory_space<hbm>>
    tpu.enqueue_indirect_dma source(%arg9 : memref<16x2048xf32, #tpu.memory_space<vmem>>) target(%dma_start3A_33 : memref<16384x2048xf32, #tpu.memory_space<hbm>>) offsets(%dma_start3A_30 : memref<16xi32, #tpu.memory_space<vmem>>) semaphore(%arg13 : memref<!tpu.dma_semaphore, #tpu.memory_space<semaphore_mem>>)
    %dma_wait3A_34 = arith.constant 0 : i32
    %dma_wait3A_35 = arith.constant 0 : i32
    %dma_wait3A_36 = tpu.memref_slice %arg7[%dma_wait3A_34, %dma_wait3A_35] : memref<8x16xi32, #tpu.memory_space<vmem>> -> memref<1x16xi32, #tpu.memory_space<vmem>>
    %dma_wait3A_37 = tpu.memref_squeeze %dma_wait3A_36 : memref<1x16xi32, #tpu.memory_space<vmem>> -> memref<16xi32, #tpu.memory_space<vmem>>
    %dma_wait3A_38 = arith.constant 0 : i32
    %dma_wait3A_39 = arith.constant 0 : i32
    %dma_wait3A_40 = tpu.memref_slice %arg5[%dma_wait3A_38, %dma_wait3A_39] : memref<16384x2048xf32, #tpu.memory_space<hbm>> -> memref<16384x2048xf32, #tpu.memory_space<hbm>>
    tpu.wait_indirect_dma semaphore(%arg13 : memref<!tpu.dma_semaphore, #tpu.memory_space<semaphore_mem>>) src(%arg9 : memref<16x2048xf32, #tpu.memory_space<vmem>>) dst(%dma_wait3A_40 : memref<16384x2048xf32, #tpu.memory_space<hbm>>)
    %dma_start3A_41 = arith.constant 3 : i32
    %dma_start3A_42 = arith.constant 0 : i32
    %dma_start3A_43 = tpu.memref_slice %arg8[%dma_start3A_41, %dma_start3A_42] : memref<8x16xi32, #tpu.memory_space<vmem>> -> memref<1x16xi32, #tpu.memory_space<vmem>>
    %dma_start3A_44 = tpu.memref_squeeze %dma_start3A_43 : memref<1x16xi32, #tpu.memory_space<vmem>> -> memref<16xi32, #tpu.memory_space<vmem>>
    %dma_start3A_45 = arith.constant 0 : i32
    %dma_start3A_46 = arith.constant 0 : i32
    %dma_start3A_47 = tpu.memref_slice %arg2[%dma_start3A_45, %dma_start3A_46] : memref<4096x2048xf32, #tpu.memory_space<hbm>> -> memref<4096x2048xf32, #tpu.memory_space<hbm>>
    tpu.enqueue_indirect_dma source(%dma_start3A_47 : memref<4096x2048xf32, #tpu.memory_space<hbm>>) target(%arg9 : memref<16x2048xf32, #tpu.memory_space<vmem>>) offsets(%dma_start3A_44 : memref<16xi32, #tpu.memory_space<vmem>>) semaphore(%arg12 : memref<!tpu.dma_semaphore, #tpu.memory_space<semaphore_mem>>)
    %dma_wait3A_48 = arith.constant 1 : i32
    %dma_wait3A_49 = arith.constant 0 : i32
    %dma_wait3A_50 = tpu.memref_slice %arg8[%dma_wait3A_48, %dma_wait3A_49] : memref<8x16xi32, #tpu.memory_space<vmem>> -> memref<1x16xi32, #tpu.memory_space<vmem>>
    %dma_wait3A_51 = tpu.memref_squeeze %dma_wait3A_50 : memref<1x16xi32, #tpu.memory_space<vmem>> -> memref<16xi32, #tpu.memory_space<vmem>>
    %dma_wait3A_52 = arith.constant 0 : i32
    %dma_wait3A_53 = arith.constant 0 : i32
    %dma_wait3A_54 = tpu.memref_slice %arg2[%dma_wait3A_52, %dma_wait3A_53] : memref<4096x2048xf32, #tpu.memory_space<hbm>> -> memref<4096x2048xf32, #tpu.memory_space<hbm>>
    tpu.wait_indirect_dma semaphore(%arg12 : memref<!tpu.dma_semaphore, #tpu.memory_space<semaphore_mem>>) src(%dma_wait3A_54 : memref<4096x2048xf32, #tpu.memory_space<hbm>>) dst(%arg10 : memref<16x2048xf32, #tpu.memory_space<vmem>>)
    %dma_start3A_55 = arith.constant 1 : i32
    %dma_start3A_56 = arith.constant 0 : i32
    %dma_start3A_57 = tpu.memref_slice %arg7[%dma_start3A_55, %dma_start3A_56] : memref<8x16xi32, #tpu.memory_space<vmem>> -> memref<1x16xi32, #tpu.memory_space<vmem>>
    %dma_start3A_58 = tpu.memref_squeeze %dma_start3A_57 : memref<1x16xi32, #tpu.memory_space<vmem>> -> memref<16xi32, #tpu.memory_space<vmem>>
    %dma_start3A_59 = arith.constant 0 : i32
    %dma_start3A_60 = arith.constant 0 : i32
    %dma_start3A_61 = tpu.memref_slice %arg5[%dma_start3A_59, %dma_start3A_60] : memref<16384x2048xf32, #tpu.memory_space<hbm>> -> memref<16384x2048xf32, #tpu.memory_space<hbm>>
    tpu.enqueue_indirect_dma source(%arg10 : memref<16x2048xf32, #tpu.memory_space<vmem>>) target(%dma_start3A_61 : memref<16384x2048xf32, #tpu.memory_space<hbm>>) offsets(%dma_start3A_58 : memref<16xi32, #tpu.memory_space<vmem>>) semaphore(%arg13 : memref<!tpu.dma_semaphore, #tpu.memory_space<semaphore_mem>>)
    %dma_wait3A_62 = arith.constant 1 : i32
    %dma_wait3A_63 = arith.constant 0 : i32
    %dma_wait3A_64 = tpu.memref_slice %arg7[%dma_wait3A_62, %dma_wait3A_63] : memref<8x16xi32, #tpu.memory_space<vmem>> -> memref<1x16xi32, #tpu.memory_space<vmem>>
    %dma_wait3A_65 = tpu.memref_squeeze %dma_wait3A_64 : memref<1x16xi32, #tpu.memory_space<vmem>> -> memref<16xi32, #tpu.memory_space<vmem>>
    %dma_wait3A_66 = arith.constant 0 : i32
    %dma_wait3A_67 = arith.constant 0 : i32
    %dma_wait3A_68 = tpu.memref_slice %arg5[%dma_wait3A_66, %dma_wait3A_67] : memref<16384x2048xf32, #tpu.memory_space<hbm>> -> memref<16384x2048xf32, #tpu.memory_space<hbm>>
    tpu.wait_indirect_dma semaphore(%arg13 : memref<!tpu.dma_semaphore, #tpu.memory_space<semaphore_mem>>) src(%arg10 : memref<16x2048xf32, #tpu.memory_space<vmem>>) dst(%dma_wait3A_68 : memref<16384x2048xf32, #tpu.memory_space<hbm>>)
    %dma_start3A_69 = arith.constant 4 : i32
    %dma_start3A_70 = arith.constant 0 : i32
    %dma_start3A_71 = tpu.memref_slice %arg8[%dma_start3A_69, %dma_start3A_70] : memref<8x16xi32, #tpu.memory_space<vmem>> -> memref<1x16xi32, #tpu.memory_space<vmem>>
    %dma_start3A_72 = tpu.memref_squeeze %dma_start3A_71 : memref<1x16xi32, #tpu.memory_space<vmem>> -> memref<16xi32, #tpu.memory_space<vmem>>
    %dma_start3A_73 = arith.constant 0 : i32
    %dma_start3A_74 = arith.constant 0 : i32
    %dma_start3A_75 = tpu.memref_slice %arg2[%dma_start3A_73, %dma_start3A_74] : memref<4096x2048xf32, #tpu.memory_space<hbm>> -> memref<4096x2048xf32, #tpu.memory_space<hbm>>
    tpu.enqueue_indirect_dma source(%dma_start3A_75 : memref<4096x2048xf32, #tpu.memory_space<hbm>>) target(%arg10 : memref<16x2048xf32, #tpu.memory_space<vmem>>) offsets(%dma_start3A_72 : memref<16xi32, #tpu.memory_space<vmem>>) semaphore(%arg12 : memref<!tpu.dma_semaphore, #tpu.memory_space<semaphore_mem>>)
    %dma_wait3A_76 = arith.constant 2 : i32
    %dma_wait3A_77 = arith.constant 0 : i32
    %dma_wait3A_78 = tpu.memref_slice %arg8[%dma_wait3A_76, %dma_wait3A_77] : memref<8x16xi32, #tpu.memory_space<vmem>> -> memref<1x16xi32, #tpu.memory_space<vmem>>
    %dma_wait3A_79 = tpu.memref_squeeze %dma_wait3A_78 : memref<1x16xi32, #tpu.memory_space<vmem>> -> memref<16xi32, #tpu.memory_space<vmem>>
    %dma_wait3A_80 = arith.constant 0 : i32
    %dma_wait3A_81 = arith.constant 0 : i32
    %dma_wait3A_82 = tpu.memref_slice %arg2[%dma_wait3A_80, %dma_wait3A_81] : memref<4096x2048xf32, #tpu.memory_space<hbm>> -> memref<4096x2048xf32, #tpu.memory_space<hbm>>
    tpu.wait_indirect_dma semaphore(%arg12 : memref<!tpu.dma_semaphore, #tpu.memory_space<semaphore_mem>>) src(%dma_wait3A_82 : memref<4096x2048xf32, #tpu.memory_space<hbm>>) dst(%arg11 : memref<16x2048xf32, #tpu.memory_space<vmem>>)
    %dma_start3A_83 = arith.constant 2 : i32
    %dma_start3A_84 = arith.constant 0 : i32
    %dma_start3A_85 = tpu.memref_slice %arg7[%dma_start3A_83, %dma_start3A_84] : memref<8x16xi32, #tpu.memory_space<vmem>> -> memref<1x16xi32, #tpu.memory_space<vmem>>
    %dma_start3A_86 = tpu.memref_squeeze %dma_start3A_85 : memref<1x16xi32, #tpu.memory_space<vmem>> -> memref<16xi32, #tpu.memory_space<vmem>>
    %dma_start3A_87 = arith.constant 0 : i32
    %dma_start3A_88 = arith.constant 0 : i32
    %dma_start3A_89 = tpu.memref_slice %arg5[%dma_start3A_87, %dma_start3A_88] : memref<16384x2048xf32, #tpu.memory_space<hbm>> -> memref<16384x2048xf32, #tpu.memory_space<hbm>>
    tpu.enqueue_indirect_dma source(%arg11 : memref<16x2048xf32, #tpu.memory_space<vmem>>) target(%dma_start3A_89 : memref<16384x2048xf32, #tpu.memory_space<hbm>>) offsets(%dma_start3A_86 : memref<16xi32, #tpu.memory_space<vmem>>) semaphore(%arg13 : memref<!tpu.dma_semaphore, #tpu.memory_space<semaphore_mem>>)
    %dma_wait3A_90 = arith.constant 2 : i32
    %dma_wait3A_91 = arith.constant 0 : i32
    %dma_wait3A_92 = tpu.memref_slice %arg7[%dma_wait3A_90, %dma_wait3A_91] : memref<8x16xi32, #tpu.memory_space<vmem>> -> memref<1x16xi32, #tpu.memory_space<vmem>>
    %dma_wait3A_93 = tpu.memref_squeeze %dma_wait3A_92 : memref<1x16xi32, #tpu.memory_space<vmem>> -> memref<16xi32, #tpu.memory_space<vmem>>
    %dma_wait3A_94 = arith.constant 0 : i32
    %dma_wait3A_95 = arith.constant 0 : i32
    %dma_wait3A_96 = tpu.memref_slice %arg5[%dma_wait3A_94, %dma_wait3A_95] : memref<16384x2048xf32, #tpu.memory_space<hbm>> -> memref<16384x2048xf32, #tpu.memory_space<hbm>>
    tpu.wait_indirect_dma semaphore(%arg13 : memref<!tpu.dma_semaphore, #tpu.memory_space<semaphore_mem>>) src(%arg11 : memref<16x2048xf32, #tpu.memory_space<vmem>>) dst(%dma_wait3A_96 : memref<16384x2048xf32, #tpu.memory_space<hbm>>)
    %dma_start3A_97 = arith.constant 5 : i32
    %dma_start3A_98 = arith.constant 0 : i32
    %dma_start3A_99 = tpu.memref_slice %arg8[%dma_start3A_97, %dma_start3A_98] : memref<8x16xi32, #tpu.memory_space<vmem>> -> memref<1x16xi32, #tpu.memory_space<vmem>>
    %dma_start3A_100 = tpu.memref_squeeze %dma_start3A_99 : memref<1x16xi32, #tpu.memory_space<vmem>> -> memref<16xi32, #tpu.memory_space<vmem>>
    %dma_start3A_101 = arith.constant 0 : i32
    %dma_start3A_102 = arith.constant 0 : i32
    %dma_start3A_103 = tpu.memref_slice %arg2[%dma_start3A_101, %dma_start3A_102] : memref<4096x2048xf32, #tpu.memory_space<hbm>> -> memref<4096x2048xf32, #tpu.memory_space<hbm>>
    tpu.enqueue_indirect_dma source(%dma_start3A_103 : memref<4096x2048xf32, #tpu.memory_space<hbm>>) target(%arg11 : memref<16x2048xf32, #tpu.memory_space<vmem>>) offsets(%dma_start3A_100 : memref<16xi32, #tpu.memory_space<vmem>>) semaphore(%arg12 : memref<!tpu.dma_semaphore, #tpu.memory_space<semaphore_mem>>)
    %dma_wait3A_104 = arith.constant 3 : i32
    %dma_wait3A_105 = arith.constant 0 : i32
    %dma_wait3A_106 = tpu.memref_slice %arg8[%dma_wait3A_104, %dma_wait3A_105] : memref<8x16xi32, #tpu.memory_space<vmem>> -> memref<1x16xi32, #tpu.memory_space<vmem>>
    %dma_wait3A_107 = tpu.memref_squeeze %dma_wait3A_106 : memref<1x16xi32, #tpu.memory_space<vmem>> -> memref<16xi32, #tpu.memory_space<vmem>>
    %dma_wait3A_108 = arith.constant 0 : i32
    %dma_wait3A_109 = arith.constant 0 : i32
    %dma_wait3A_110 = tpu.memref_slice %arg2[%dma_wait3A_108, %dma_wait3A_109] : memref<4096x2048xf32, #tpu.memory_space<hbm>> -> memref<4096x2048xf32, #tpu.memory_space<hbm>>
    tpu.wait_indirect_dma semaphore(%arg12 : memref<!tpu.dma_semaphore, #tpu.memory_space<semaphore_mem>>) src(%dma_wait3A_110 : memref<4096x2048xf32, #tpu.memory_space<hbm>>) dst(%arg9 : memref<16x2048xf32, #tpu.memory_space<vmem>>)
    %dma_start3A_111 = arith.constant 3 : i32
    %dma_start3A_112 = arith.constant 0 : i32
    %dma_start3A_113 = tpu.memref_slice %arg7[%dma_start3A_111, %dma_start3A_112] : memref<8x16xi32, #tpu.memory_space<vmem>> -> memref<1x16xi32, #tpu.memory_space<vmem>>
    %dma_start3A_114 = tpu.memref_squeeze %dma_start3A_113 : memref<1x16xi32, #tpu.memory_space<vmem>> -> memref<16xi32, #tpu.memory_space<vmem>>
    %dma_start3A_115 = arith.constant 0 : i32
    %dma_start3A_116 = arith.constant 0 : i32
    %dma_start3A_117 = tpu.memref_slice %arg5[%dma_start3A_115, %dma_start3A_116] : memref<16384x2048xf32, #tpu.memory_space<hbm>> -> memref<16384x2048xf32, #tpu.memory_space<hbm>>
    tpu.enqueue_indirect_dma source(%arg9 : memref<16x2048xf32, #tpu.memory_space<vmem>>) target(%dma_start3A_117 : memref<16384x2048xf32, #tpu.memory_space<hbm>>) offsets(%dma_start3A_114 : memref<16xi32, #tpu.memory_space<vmem>>) semaphore(%arg13 : memref<!tpu.dma_semaphore, #tpu.memory_space<semaphore_mem>>)
    %dma_wait3A_118 = arith.constant 3 : i32
    %dma_wait3A_119 = arith.constant 0 : i32
    %dma_wait3A_120 = tpu.memref_slice %arg7[%dma_wait3A_118, %dma_wait3A_119] : memref<8x16xi32, #tpu.memory_space<vmem>> -> memref<1x16xi32, #tpu.memory_space<vmem>>
    %dma_wait3A_121 = tpu.memref_squeeze %dma_wait3A_120 : memref<1x16xi32, #tpu.memory_space<vmem>> -> memref<16xi32, #tpu.memory_space<vmem>>
    %dma_wait3A_122 = arith.constant 0 : i32
    %dma_wait3A_123 = arith.constant 0 : i32
    %dma_wait3A_124 = tpu.memref_slice %arg5[%dma_wait3A_122, %dma_wait3A_123] : memref<16384x2048xf32, #tpu.memory_space<hbm>> -> memref<16384x2048xf32, #tpu.memory_space<hbm>>
    tpu.wait_indirect_dma semaphore(%arg13 : memref<!tpu.dma_semaphore, #tpu.memory_space<semaphore_mem>>) src(%arg9 : memref<16x2048xf32, #tpu.memory_space<vmem>>) dst(%dma_wait3A_124 : memref<16384x2048xf32, #tpu.memory_space<hbm>>)
    %dma_start3A_125 = arith.constant 6 : i32
    %dma_start3A_126 = arith.constant 0 : i32
    %dma_start3A_127 = tpu.memref_slice %arg8[%dma_start3A_125, %dma_start3A_126] : memref<8x16xi32, #tpu.memory_space<vmem>> -> memref<1x16xi32, #tpu.memory_space<vmem>>
    %dma_start3A_128 = tpu.memref_squeeze %dma_start3A_127 : memref<1x16xi32, #tpu.memory_space<vmem>> -> memref<16xi32, #tpu.memory_space<vmem>>
    %dma_start3A_129 = arith.constant 0 : i32
    %dma_start3A_130 = arith.constant 0 : i32
    %dma_start3A_131 = tpu.memref_slice %arg2[%dma_start3A_129, %dma_start3A_130] : memref<4096x2048xf32, #tpu.memory_space<hbm>> -> memref<4096x2048xf32, #tpu.memory_space<hbm>>
    tpu.enqueue_indirect_dma source(%dma_start3A_131 : memref<4096x2048xf32, #tpu.memory_space<hbm>>) target(%arg9 : memref<16x2048xf32, #tpu.memory_space<vmem>>) offsets(%dma_start3A_128 : memref<16xi32, #tpu.memory_space<vmem>>) semaphore(%arg12 : memref<!tpu.dma_semaphore, #tpu.memory_space<semaphore_mem>>)
    %dma_wait3A_132 = arith.constant 4 : i32
    %dma_wait3A_133 = arith.constant 0 : i32
    %dma_wait3A_134 = tpu.memref_slice %arg8[%dma_wait3A_132, %dma_wait3A_133] : memref<8x16xi32, #tpu.memory_space<vmem>> -> memref<1x16xi32, #tpu.memory_space<vmem>>
    %dma_wait3A_135 = tpu.memref_squeeze %dma_wait3A_134 : memref<1x16xi32, #tpu.memory_space<vmem>> -> memref<16xi32, #tpu.memory_space<vmem>>
    %dma_wait3A_136 = arith.constant 0 : i32
    %dma_wait3A_137 = arith.constant 0 : i32
    %dma_wait3A_138 = tpu.memref_slice %arg2[%dma_wait3A_136, %dma_wait3A_137] : memref<4096x2048xf32, #tpu.memory_space<hbm>> -> memref<4096x2048xf32, #tpu.memory_space<hbm>>
    tpu.wait_indirect_dma semaphore(%arg12 : memref<!tpu.dma_semaphore, #tpu.memory_space<semaphore_mem>>) src(%dma_wait3A_138 : memref<4096x2048xf32, #tpu.memory_space<hbm>>) dst(%arg10 : memref<16x2048xf32, #tpu.memory_space<vmem>>)
    %dma_start3A_139 = arith.constant 4 : i32
    %dma_start3A_140 = arith.constant 0 : i32
    %dma_start3A_141 = tpu.memref_slice %arg7[%dma_start3A_139, %dma_start3A_140] : memref<8x16xi32, #tpu.memory_space<vmem>> -> memref<1x16xi32, #tpu.memory_space<vmem>>
    %dma_start3A_142 = tpu.memref_squeeze %dma_start3A_141 : memref<1x16xi32, #tpu.memory_space<vmem>> -> memref<16xi32, #tpu.memory_space<vmem>>
    %dma_start3A_143 = arith.constant 0 : i32
    %dma_start3A_144 = arith.constant 0 : i32
    %dma_start3A_145 = tpu.memref_slice %arg5[%dma_start3A_143, %dma_start3A_144] : memref<16384x2048xf32, #tpu.memory_space<hbm>> -> memref<16384x2048xf32, #tpu.memory_space<hbm>>
    tpu.enqueue_indirect_dma source(%arg10 : memref<16x2048xf32, #tpu.memory_space<vmem>>) target(%dma_start3A_145 : memref<16384x2048xf32, #tpu.memory_space<hbm>>) offsets(%dma_start3A_142 : memref<16xi32, #tpu.memory_space<vmem>>) semaphore(%arg13 : memref<!tpu.dma_semaphore, #tpu.memory_space<semaphore_mem>>)
    %dma_wait3A_146 = arith.constant 4 : i32
    %dma_wait3A_147 = arith.constant 0 : i32
    %dma_wait3A_148 = tpu.memref_slice %arg7[%dma_wait3A_146, %dma_wait3A_147] : memref<8x16xi32, #tpu.memory_space<vmem>> -> memref<1x16xi32, #tpu.memory_space<vmem>>
    %dma_wait3A_149 = tpu.memref_squeeze %dma_wait3A_148 : memref<1x16xi32, #tpu.memory_space<vmem>> -> memref<16xi32, #tpu.memory_space<vmem>>
    %dma_wait3A_150 = arith.constant 0 : i32
    %dma_wait3A_151 = arith.constant 0 : i32
    %dma_wait3A_152 = tpu.memref_slice %arg5[%dma_wait3A_150, %dma_wait3A_151] : memref<16384x2048xf32, #tpu.memory_space<hbm>> -> memref<16384x2048xf32, #tpu.memory_space<hbm>>
    tpu.wait_indirect_dma semaphore(%arg13 : memref<!tpu.dma_semaphore, #tpu.memory_space<semaphore_mem>>) src(%arg10 : memref<16x2048xf32, #tpu.memory_space<vmem>>) dst(%dma_wait3A_152 : memref<16384x2048xf32, #tpu.memory_space<hbm>>)
    %dma_start3A_153 = arith.constant 7 : i32
    %dma_start3A_154 = arith.constant 0 : i32
    %dma_start3A_155 = tpu.memref_slice %arg8[%dma_start3A_153, %dma_start3A_154] : memref<8x16xi32, #tpu.memory_space<vmem>> -> memref<1x16xi32, #tpu.memory_space<vmem>>
    %dma_start3A_156 = tpu.memref_squeeze %dma_start3A_155 : memref<1x16xi32, #tpu.memory_space<vmem>> -> memref<16xi32, #tpu.memory_space<vmem>>
    %dma_start3A_157 = arith.constant 0 : i32
    %dma_start3A_158 = arith.constant 0 : i32
    %dma_start3A_159 = tpu.memref_slice %arg2[%dma_start3A_157, %dma_start3A_158] : memref<4096x2048xf32, #tpu.memory_space<hbm>> -> memref<4096x2048xf32, #tpu.memory_space<hbm>>
    tpu.enqueue_indirect_dma source(%dma_start3A_159 : memref<4096x2048xf32, #tpu.memory_space<hbm>>) target(%arg10 : memref<16x2048xf32, #tpu.memory_space<vmem>>) offsets(%dma_start3A_156 : memref<16xi32, #tpu.memory_space<vmem>>) semaphore(%arg12 : memref<!tpu.dma_semaphore, #tpu.memory_space<semaphore_mem>>)
    %dma_wait3A_160 = arith.constant 5 : i32
    %dma_wait3A_161 = arith.constant 0 : i32
    %dma_wait3A_162 = tpu.memref_slice %arg8[%dma_wait3A_160, %dma_wait3A_161] : memref<8x16xi32, #tpu.memory_space<vmem>> -> memref<1x16xi32, #tpu.memory_space<vmem>>
    %dma_wait3A_163 = tpu.memref_squeeze %dma_wait3A_162 : memref<1x16xi32, #tpu.memory_space<vmem>> -> memref<16xi32, #tpu.memory_space<vmem>>
    %dma_wait3A_164 = arith.constant 0 : i32
    %dma_wait3A_165 = arith.constant 0 : i32
    %dma_wait3A_166 = tpu.memref_slice %arg2[%dma_wait3A_164, %dma_wait3A_165] : memref<4096x2048xf32, #tpu.memory_space<hbm>> -> memref<4096x2048xf32, #tpu.memory_space<hbm>>
    tpu.wait_indirect_dma semaphore(%arg12 : memref<!tpu.dma_semaphore, #tpu.memory_space<semaphore_mem>>) src(%dma_wait3A_166 : memref<4096x2048xf32, #tpu.memory_space<hbm>>) dst(%arg11 : memref<16x2048xf32, #tpu.memory_space<vmem>>)
    %dma_start3A_167 = arith.constant 5 : i32
    %dma_start3A_168 = arith.constant 0 : i32
    %dma_start3A_169 = tpu.memref_slice %arg7[%dma_start3A_167, %dma_start3A_168] : memref<8x16xi32, #tpu.memory_space<vmem>> -> memref<1x16xi32, #tpu.memory_space<vmem>>
    %dma_start3A_170 = tpu.memref_squeeze %dma_start3A_169 : memref<1x16xi32, #tpu.memory_space<vmem>> -> memref<16xi32, #tpu.memory_space<vmem>>
    %dma_start3A_171 = arith.constant 0 : i32
    %dma_start3A_172 = arith.constant 0 : i32
    %dma_start3A_173 = tpu.memref_slice %arg5[%dma_start3A_171, %dma_start3A_172] : memref<16384x2048xf32, #tpu.memory_space<hbm>> -> memref<16384x2048xf32, #tpu.memory_space<hbm>>
    tpu.enqueue_indirect_dma source(%arg11 : memref<16x2048xf32, #tpu.memory_space<vmem>>) target(%dma_start3A_173 : memref<16384x2048xf32, #tpu.memory_space<hbm>>) offsets(%dma_start3A_170 : memref<16xi32, #tpu.memory_space<vmem>>) semaphore(%arg13 : memref<!tpu.dma_semaphore, #tpu.memory_space<semaphore_mem>>)
    %dma_wait3A_174 = arith.constant 6 : i32
    %dma_wait3A_175 = arith.constant 0 : i32
    %dma_wait3A_176 = tpu.memref_slice %arg8[%dma_wait3A_174, %dma_wait3A_175] : memref<8x16xi32, #tpu.memory_space<vmem>> -> memref<1x16xi32, #tpu.memory_space<vmem>>
    %dma_wait3A_177 = tpu.memref_squeeze %dma_wait3A_176 : memref<1x16xi32, #tpu.memory_space<vmem>> -> memref<16xi32, #tpu.memory_space<vmem>>
    %dma_wait3A_178 = arith.constant 0 : i32
    %dma_wait3A_179 = arith.constant 0 : i32
    %dma_wait3A_180 = tpu.memref_slice %arg2[%dma_wait3A_178, %dma_wait3A_179] : memref<4096x2048xf32, #tpu.memory_space<hbm>> -> memref<4096x2048xf32, #tpu.memory_space<hbm>>
    tpu.wait_indirect_dma semaphore(%arg12 : memref<!tpu.dma_semaphore, #tpu.memory_space<semaphore_mem>>) src(%dma_wait3A_180 : memref<4096x2048xf32, #tpu.memory_space<hbm>>) dst(%arg9 : memref<16x2048xf32, #tpu.memory_space<vmem>>)
    %dma_start3A_181 = arith.constant 6 : i32
    %dma_start3A_182 = arith.constant 0 : i32
    %dma_start3A_183 = tpu.memref_slice %arg7[%dma_start3A_181, %dma_start3A_182] : memref<8x16xi32, #tpu.memory_space<vmem>> -> memref<1x16xi32, #tpu.memory_space<vmem>>
    %dma_start3A_184 = tpu.memref_squeeze %dma_start3A_183 : memref<1x16xi32, #tpu.memory_space<vmem>> -> memref<16xi32, #tpu.memory_space<vmem>>
    %dma_start3A_185 = arith.constant 0 : i32
    %dma_start3A_186 = arith.constant 0 : i32
    %dma_start3A_187 = tpu.memref_slice %arg5[%dma_start3A_185, %dma_start3A_186] : memref<16384x2048xf32, #tpu.memory_space<hbm>> -> memref<16384x2048xf32, #tpu.memory_space<hbm>>
    tpu.enqueue_indirect_dma source(%arg9 : memref<16x2048xf32, #tpu.memory_space<vmem>>) target(%dma_start3A_187 : memref<16384x2048xf32, #tpu.memory_space<hbm>>) offsets(%dma_start3A_184 : memref<16xi32, #tpu.memory_space<vmem>>) semaphore(%arg13 : memref<!tpu.dma_semaphore, #tpu.memory_space<semaphore_mem>>)
    %dma_wait3A_188 = arith.constant 7 : i32
    %dma_wait3A_189 = arith.constant 0 : i32
    %dma_wait3A_190 = tpu.memref_slice %arg8[%dma_wait3A_188, %dma_wait3A_189] : memref<8x16xi32, #tpu.memory_space<vmem>> -> memref<1x16xi32, #tpu.memory_space<vmem>>
    %dma_wait3A_191 = tpu.memref_squeeze %dma_wait3A_190 : memref<1x16xi32, #tpu.memory_space<vmem>> -> memref<16xi32, #tpu.memory_space<vmem>>
    %dma_wait3A_192 = arith.constant 0 : i32
    %dma_wait3A_193 = arith.constant 0 : i32
    %dma_wait3A_194 = tpu.memref_slice %arg2[%dma_wait3A_192, %dma_wait3A_193] : memref<4096x2048xf32, #tpu.memory_space<hbm>> -> memref<4096x2048xf32, #tpu.memory_space<hbm>>
    tpu.wait_indirect_dma semaphore(%arg12 : memref<!tpu.dma_semaphore, #tpu.memory_space<semaphore_mem>>) src(%dma_wait3A_194 : memref<4096x2048xf32, #tpu.memory_space<hbm>>) dst(%arg10 : memref<16x2048xf32, #tpu.memory_space<vmem>>)
    %dma_start3A_195 = arith.constant 7 : i32
    %dma_start3A_196 = arith.constant 0 : i32
    %dma_start3A_197 = tpu.memref_slice %arg7[%dma_start3A_195, %dma_start3A_196] : memref<8x16xi32, #tpu.memory_space<vmem>> -> memref<1x16xi32, #tpu.memory_space<vmem>>
    %dma_start3A_198 = tpu.memref_squeeze %dma_start3A_197 : memref<1x16xi32, #tpu.memory_space<vmem>> -> memref<16xi32, #tpu.memory_space<vmem>>
    %dma_start3A_199 = arith.constant 0 : i32
    %dma_start3A_200 = arith.constant 0 : i32
    %dma_start3A_201 = tpu.memref_slice %arg5[%dma_start3A_199, %dma_start3A_200] : memref<16384x2048xf32, #tpu.memory_space<hbm>> -> memref<16384x2048xf32, #tpu.memory_space<hbm>>
    tpu.enqueue_indirect_dma source(%arg10 : memref<16x2048xf32, #tpu.memory_space<vmem>>) target(%dma_start3A_201 : memref<16384x2048xf32, #tpu.memory_space<hbm>>) offsets(%dma_start3A_198 : memref<16xi32, #tpu.memory_space<vmem>>) semaphore(%arg13 : memref<!tpu.dma_semaphore, #tpu.memory_space<semaphore_mem>>)
    %dma_wait3A_202 = arith.constant 5 : i32
    %dma_wait3A_203 = arith.constant 0 : i32
    %dma_wait3A_204 = tpu.memref_slice %arg7[%dma_wait3A_202, %dma_wait3A_203] : memref<8x16xi32, #tpu.memory_space<vmem>> -> memref<1x16xi32, #tpu.memory_space<vmem>>
    %dma_wait3A_205 = tpu.memref_squeeze %dma_wait3A_204 : memref<1x16xi32, #tpu.memory_space<vmem>> -> memref<16xi32, #tpu.memory_space<vmem>>
    %dma_wait3A_206 = arith.constant 0 : i32
    %dma_wait3A_207 = arith.constant 0 : i32
    %dma_wait3A_208 = tpu.memref_slice %arg5[%dma_wait3A_206, %dma_wait3A_207] : memref<16384x2048xf32, #tpu.memory_space<hbm>> -> memref<16384x2048xf32, #tpu.memory_space<hbm>>
    tpu.wait_indirect_dma semaphore(%arg13 : memref<!tpu.dma_semaphore, #tpu.memory_space<semaphore_mem>>) src(%arg11 : memref<16x2048xf32, #tpu.memory_space<vmem>>) dst(%dma_wait3A_208 : memref<16384x2048xf32, #tpu.memory_space<hbm>>)
    %dma_wait3A_209 = arith.constant 6 : i32
    %dma_wait3A_210 = arith.constant 0 : i32
    %dma_wait3A_211 = tpu.memref_slice %arg7[%dma_wait3A_209, %dma_wait3A_210] : memref<8x16xi32, #tpu.memory_space<vmem>> -> memref<1x16xi32, #tpu.memory_space<vmem>>
    %dma_wait3A_212 = tpu.memref_squeeze %dma_wait3A_211 : memref<1x16xi32, #tpu.memory_space<vmem>> -> memref<16xi32, #tpu.memory_space<vmem>>
    %dma_wait3A_213 = arith.constant 0 : i32
    %dma_wait3A_214 = arith.constant 0 : i32
    %dma_wait3A_215 = tpu.memref_slice %arg5[%dma_wait3A_213, %dma_wait3A_214] : memref<16384x2048xf32, #tpu.memory_space<hbm>> -> memref<16384x2048xf32, #tpu.memory_space<hbm>>
    tpu.wait_indirect_dma semaphore(%arg13 : memref<!tpu.dma_semaphore, #tpu.memory_space<semaphore_mem>>) src(%arg9 : memref<16x2048xf32, #tpu.memory_space<vmem>>) dst(%dma_wait3A_215 : memref<16384x2048xf32, #tpu.memory_space<hbm>>)
    %dma_wait3A_216 = arith.constant 7 : i32
    %dma_wait3A_217 = arith.constant 0 : i32
    %dma_wait3A_218 = tpu.memref_slice %arg7[%dma_wait3A_216, %dma_wait3A_217] : memref<8x16xi32, #tpu.memory_space<vmem>> -> memref<1x16xi32, #tpu.memory_space<vmem>>
    %dma_wait3A_219 = tpu.memref_squeeze %dma_wait3A_218 : memref<1x16xi32, #tpu.memory_space<vmem>> -> memref<16xi32, #tpu.memory_space<vmem>>
    %dma_wait3A_220 = arith.constant 0 : i32
    %dma_wait3A_221 = arith.constant 0 : i32
    %dma_wait3A_222 = tpu.memref_slice %arg5[%dma_wait3A_220, %dma_wait3A_221] : memref<16384x2048xf32, #tpu.memory_space<hbm>> -> memref<16384x2048xf32, #tpu.memory_space<hbm>>
    tpu.wait_indirect_dma semaphore(%arg13 : memref<!tpu.dma_semaphore, #tpu.memory_space<semaphore_mem>>) src(%arg10 : memref<16x2048xf32, #tpu.memory_space<vmem>>) dst(%dma_wait3A_222 : memref<16384x2048xf32, #tpu.memory_space<hbm>>)
    return
  }
}

</mosaic_0001>

<sc_bundles>
// kernel: kernel.3.cloned.1.call-start
scs
__scs_entry_jumppad:
0x0: {  	(pc) =	sbr.rel $0x88, $3  }
0x1: {  	(tag) =	ssettag $0x0;
	lr =	simm.s32 $0x1  }
0x2: {  	[smem:$0x3F9E] =	sst lr;
	_ =	strace $0xD0000000  }
0x3: {  	_ = 	snop  }
0x4: {  	_ = 	snop  }
0x5: {  	_ = 	snop  }
0x6: {  	_ = 	snop  }
0x7: {  	_ = 	snop  }
__scs_overlays_trampoline_lowered:
0x8: {  	[smem:$0x3FAD] =	sst s0  }
0x9: {  	[smem:$0x3FAE] =	sst s1  }
0xa: {  	[smem:$0x3FAF] =	sst s2  }
0xb: {  	[smem:$0x3FB0] =	sst s3  }
0xc: {  	[smem:$0x3FB1] =	sst s4  }
0xd: {  	[smem:$0x3FB2] =	sst s5  }
0xe: {  	[smem:$0x3FB3] =	sst s6  }
0xf: {  	[smem:$0x3FB4] =	sst s7  }
0x10: {  	[smem:$0x3FB5] =	sst s8  }
0x11: {  	[smem:$0x3FB6] =	sst s9;
	s0 =	simm.s32 @!p0 $0x0  }
0x12: {  	s1 =	sld [smem:$0x3F9C];
	s0 =	simm.s32 @p0 $0x1  }
0x13: {  	[smem:$0x3FB7] =	sst s0;
	s0 =	simm.s32 @!p1 $0x0  }
0x14: {  	s2 =	sld [smem:$0x3F9B];
	s0 =	simm.s32 @p1 $0x1  }
0x15: {  	[smem:$0x3FB8] =	sst s0;
	s0 =	simm.s32 @!p2 $0x0  }
0x16: {  	s3 =	sld [smem:$0x3FDB];
	s0 =	simm.s32 @p2 $0x1  }
0x17: {  	s4 =	simm.s32 $0x1BF5;
	[smem:$0x3FBA] =	sst s0  }
0x18: {  	s0 =	sld [smem:$0x3F9D];
	_ =	swait.ge [sflag:s4], $0x0  }
0x19: {  	s7 =	sld [smem:$0x3F9E]  }
0x1a: {  	s8 =	sadd.s32 $0xFFFFE003, lr  }
0x1b: {  	s9 =	sadd.s32 $0xFFFFFEF7, lr;
	s5 =	simm.s32 $0xFFFFFFFF;
	p2 =	slt.u32 s8, $0xFFFFF086  }
0x1c: {  	p1 =	slt.u32 s9, $0xF7A;
	s5 =	simm.s32 @!p2 $0x0  }
0x1d: {  	s5 =	simm.s32 @p1 $0x1;
	p0 =	seq.s32 s7, s2  }
0x1e: {  	s7 =	smul.u32 @!p0 $0xF7A, s2;
	p2 =	seq.s32 @!p0 s5, $0x0  }
0x1f: {  	s9 =	smul.u32 $0xF7A, s1;
	s8 =	simm.s32 @!p0 $0x1BF5;
	p2 =	por !p2, p0  }
0x20: {  	[sflag:s8] =	ssyncset.s32 @!p0 $0xFFFFF086;
	s6 =	sadd.s32 @!p0 s3, s7;
	s7 =	simm.s32 @!p0 $0x108  }
0x21: {  	s3 =	sadd.s32 s3, s9;
	s6 =	sadd.s32 @!p0 $0x88, s6;
	s7 =	simm.s32 @p2 $0x1082  }
0x22: {  	[simem:s7], [sflag:s8] =	dma.local @!p0 [hbm:s6], $0xF7A  }
0x23: {  	s9 =	sor.u32 $0xD0000000, s2;
	s6 =	simm.s32 $0x108;
	_ =	swait.ge @!p0 [sflag:s8], $0x0  }
0x24: {  	s3 =	sadd.s32 $0x88, s3;
	s6 =	simm.s32 @!p1 $0x1082;
	[sflag:s4] =	ssyncset.s32 $0xFFFFF086  }
0x25: {  	[simem:s6], [sflag:s4] =	dma.local [hbm:s3], $0xF7A  }
0x26: {  	[smem:$0x3F9E] =	sst s1;
	(tag) =	ssettag s2;
	_ =	strace s9  }
0x27: {  	s1 =	sld [smem:$0x3FAE]  }
0x28: {  	s2 =	sld [smem:$0x3FAF]  }
0x29: {  	s4 =	sld [smem:$0x3FB1]  }
0x2a: {  	p0 =	seq.s32 s5, $0x0;
	s5 =	sld [smem:$0x3FB2]  }
0x2b: {  	s6 =	sld [smem:$0x3FB3]  }
0x2c: {  	s7 =	sld [smem:$0x3FB4]  }
0x2d: {  	s3 =	simm.s32 $0x108;
	s8 =	sld [smem:$0x3FB5]  }
0x2e: {  	s3 =	simm.s32 @!p0 $0x1082;
	s9 =	sld [smem:$0x3FB6]  }
0x2f: {  	lr =	sadd.s32 s0, s3;
	s0 =	sld [smem:$0x3FAD]  }
0x30: {  	s3 =	sld [smem:$0x3FB0]  }
0x31: {  	[smem:$0x3FB9] =	sst s10  }
0x32: {  	s10 =	sld [smem:$0x3FB7];
	_ =	sdelay $0x3  }
0x33: {  	p0 =	seq.s32 s10, $0x1;
	s10 =	sld [smem:$0x3FB9];
	_ =	sdelay $0x3  }
0x34: {  	[smem:$0x3FB9] =	sst s10  }
0x35: {  	s10 =	sld [smem:$0x3FB8];
	_ =	sdelay $0x3  }
0x36: {  	p1 =	seq.s32 s10, $0x1;
	s10 =	sld [smem:$0x3FB9];
	_ =	sdelay $0x3  }
0x37: {  	[smem:$0x3FB9] =	sst s10  }
0x38: {  	s10 =	sld [smem:$0x3FBA]  }
0x39: {  	_ = 	snop;
	(pc) =	sbr.ind lr, $3  }
0x3a: {  	_ = 	snop  }
0x3b: {  	_ = 	snop  }
0x3c: {  	p2 =	seq.s32 s10, $0x1;
	s10 =	sld [smem:$0x3FB9]  }
0x3d: {  	_ =	shalt  }
0x3e: {  	_ =	shalt  }
0x3f: {  	_ =	shalt  }
0x40: {  	_ =	shalt  }
0x41: {  	_ =	shalt  }
0x42: {  	_ =	shalt  }
0x43: {  	_ =	shalt  }
0x44: {  	_ =	shalt  }
0x45: {  	_ =	shalt  }
0x46: {  	_ =	shalt  }
0x47: {  	_ =	shalt  }
0x48: {  	_ =	shalt  }
0x49: {  	_ =	shalt  }
0x4a: {  	_ =	shalt  }
0x4b: {  	_ =	shalt  }
0x4c: {  	_ =	shalt  }
0x4d: {  	_ =	shalt  }
0x4e: {  	_ =	shalt  }
0x4f: {  	_ =	shalt  }
0x50: {  	_ =	shalt  }
0x51: {  	_ =	shalt  }
0x52: {  	_ =	shalt  }
0x53: {  	_ =	shalt  }
0x54: {  	_ =	shalt  }
0x55: {  	_ =	shalt  }
0x56: {  	_ =	shalt  }
0x57: {  	_ =	shalt  }
0x58: {  	_ =	shalt  }
0x59: {  	_ =	shalt  }
0x5a: {  	_ =	shalt  }
0x5b: {  	_ =	shalt  }
0x5c: {  	_ =	shalt  }
0x5d: {  	_ =	shalt  }
0x5e: {  	_ =	shalt  }
0x5f: {  	_ =	shalt  }
0x60: {  	_ =	shalt  }
0x61: {  	_ =	shalt  }
0x62: {  	_ =	shalt  }
0x63: {  	_ =	shalt  }
0x64: {  	_ =	shalt  }
0x65: {  	_ =	shalt  }
0x66: {  	_ =	shalt  }
0x67: {  	_ =	shalt  }
0x68: {  	_ =	shalt  }
0x69: {  	_ =	shalt  }
0x6a: {  	_ =	shalt  }
0x6b: {  	_ =	shalt  }
0x6c: {  	_ =	shalt  }
0x6d: {  	_ =	shalt  }
0x6e: {  	_ =	shalt  }
0x6f: {  	_ =	shalt  }
0x70: {  	_ =	shalt  }
0x71: {  	_ =	shalt  }
0x72: {  	_ =	shalt  }
0x73: {  	_ =	shalt  }
0x74: {  	_ =	shalt  }
0x75: {  	_ =	shalt  }
0x76: {  	_ =	shalt  }
0x77: {  	_ =	shalt  }
0x78: {  	_ =	shalt  }
0x79: {  	_ =	shalt  }
0x7a: {  	_ =	shalt  }
0x7b: {  	_ =	shalt  }
0x7c: {  	_ =	shalt  }
0x7d: {  	_ =	shalt  }
0x7e: {  	_ =	shalt  }
0x7f: {  	_ =	shalt  }
0x80: {  	_ =	shalt  }
0x81: {  	_ =	shalt  }
0x82: {  	_ =	shalt  }
0x83: {  	_ =	shalt  }
0x84: {  	_ =	shalt  }
0x85: {  	_ =	shalt  }
0x86: {  	_ =	shalt  }
0x87: {  	_ =	shalt  }
.Lfunc_end0:
.L_simem_size_0:
called_computation_lowered:
.L_overlay_start_0:
0x88: {  	s2 =	sld [smem:$0x3FD9]  }
0x89: {  	s3 =	sld [smem:$0x3FFE];
	_ =	sdelay $0x1  }
0x8a: {  	s1 =	srdreg.scid  }
0x8b: {  	s0 =	sand.u32 $0x1, s1  }
0x8c: {  	s17 =	sshll.u32 s0, $0xA;
	s2 =	sadd.s32 s3, s2  }
0x8d: {  	s2 =	sadd.s32 s2, s17  }
0x8e: {  	[smem:$0x3FC5] =	sst s2  }
0x8f: {  	_ = 	snop  }
0x90: {  	s2 =	sld [smem:$0x3FC9]  }
0x91: {  	s18 =	sld [smem:$0x3FD0];
	(tm) =	ssettm $0x1  }
0x92: {  	s4 =	sld [smem:$0x3FFB];
	_ =	sdelay $0x3  }
0x93: {  	_ =	strace s4  }
0x94: {  	s4 =	sld [smem:$0x3FFC];
	_ =	sdelay $0x3  }
0x95: {  	_ =	strace s4  }
0x96: {  	s4 =	sld [smem:$0x3FFD];
	_ =	sdelay $0x3  }
0x97: {  	_ =	strace s4  }
0x98: {  	_ =	strace $0x8FFFFFFF  }
0x99: {  	s19 =	sld [smem:$0x3FDB];
	_ =	sdelay $0x1  }
0x9a: {  	s5 =	simm.s32 $_scs_section_size  }
0x9b: {  	s6 =	simm.s32 $_size__tile_overlayer_lowered;
	s7 =	simm.s32 $_tile_overlayer_lowered  }
0x9c: {  	s22 =	simm.s32 $0x1BFF;
	s21 =	sshll.u32 s7, $0x1;
	s4 =	sadd.s32 s5, s19  }
0x9d: {  	s8 =	simm.s32 $0x0;
	s20 =	sshll.u32 s6, $0x1;
	s6 =	sadd.s32 s21, s4  }
0x9e: {  	[timem:s8], [sflag:s22] =	dma.local [hbm:s6], s20  }
0x9f: {  	_ =	swait.ge [sflag:s22], s20  }
0xa0: {  	s5 =	ssub.s32 $0x0, s20;
	[sflag:s22] =	ssyncset.done $0x0  }
0xa1: {  	[sflag:s22] =	ssyncadd.s32 s5;
	_ =	sdelay $0x1  }
0xa2: {  	s23 =	simm.s32 $0x1B8B  }
0xa3: {  	_ =	swait.ge [sflag:s23], $0x1  }
0xa4: {  	[sflag:s23] =	ssyncset.done $0x0  }
0xa5: {  	s25 =	simm.s32 $0x1B8E;
	s24 =	sld [smem:$0x3FFE];
	[sflag:s23] =	ssyncadd.s32 $0xFFFFFFFF  }
0xa6: {  	s26 =	simm.s32 $execute0_lowered;
	[smem:$0x3FD2] =	sst s25  }
0xa7: {  	s6 =	sshll.u32 s26, $0x1;
	_ =	strace $0x80000046;
	[dreg:$0x1] =	wrdreg $0xFFFFFFFF  }
0xa8: {  	s28 =	simm.s32 $_size_execute0_lowered;
	s4 =	sadd.s32 s4, s6;
	[dreg:$0x0] =	wrdreg $0x0  }
0xa9: {  	s6 =	sshll.u32 s28, $0x1;
	[dreg:$0x2] =	wrdreg s4  }
0xaa: {  	[dreg:$0x3] =	wrdreg s6  }
0xab: {  	[dreg:$0x4] =	wrdreg $0xC0  }
0xac: {  	_ =	task [dreg:s8], $0x5FFFF  }
0xad: {  	[dreg:$0x1] =	wrdreg $0xFFFFFFFF  }
0xae: {  	[dreg:$0x0] =	wrdreg $0x60  }
0xaf: {  	[dreg:$0x2] =	wrdreg s2  }
0xb0: {  	[dreg:$0x3] =	wrdreg s24  }
0xb1: {  	[dreg:$0x4] =	wrdreg s18  }
0xb2: {  	[dreg:$0x5] =	wrdreg $0x9  }
0xb3: {  	_ =	task.clear_ibuf [dreg:s8], $0x6FFFF;
	_ =	strace $0x90000046  }
0xb4: {  	s29 =	simm.s32 $0x9;
	_ =	strace $0x80000048  }
0xb5: {  	_ =	swait.ge [sflag:s29], $0x1  }
0xb6: {  	[sflag:s29] =	ssyncadd.s32 $0xFFFFFFFF  }
0xb7: {  	_ =	strace $0x90000048  }
0xb8: {  	_ =	sfence  }
0xb9: {  	s30 =	sld [smem:$0x0];
	_ =	sdelay $0x2  }
0xba: {  	s31 =	sshll.u32 s1, $0xD;
	s1 =	sshrl.u32 s1, $0x2  }
0xbb: {  	s3 =	sand.u32 $0x4000, s31;
	s1 =	sadd.s32 s1, s30  }
0xbc: {  	s0 =	sor.u32 s3, s0;
	s1 =	sshll.u32 s1, $0x11  }
0xbd: {  	s0 =	sor.u32 s1, s0  }
0xbe: {  	s0 =	sadd.s32 $0x8F2B, s0  }
0xbf: {  	[sflag:s0] =	ssyncadd.remote.s32 $0x1  }
0xc0: {  	_ =	sfence.sel $0xFFFF  }
0xc1: {  	[dreg:$0x0] =	wrdreg $0xFFFFFFFF;
	(pc) =	sbr.abs _section_cstart, $3  }
0xc2: {  	[dreg:$0x1] =	wrdreg $0xFFFFFFFF  }
0xc3: {  	_ =	task.clear_ibuf [dreg:s8], $0x2FFFF;
	_ =	strace $0x9FFFFFFF  }
0xc4: {  	(tm) =	ssettm $0x7FFFFFFF  }
0xc5: {  	_ =	shalt  }
tec
execute0_lowered:
.L_overlay_start_1:
0x0: {  	(tag) =	ssettag $0x1  }
0x1: {  	s2 =	rddreg [dreg:$0x0]  }
0x2: {  	s0 =	rddreg [dreg:$0x1]  }
0x3: {  	s1 =	srdreg.scid;
	s3 =	rddreg [dreg:$0x2]  }
0x4: {  	s4 =	stileid.u32;
	s31 =	simm.s32 $0x400;
	s30 =	simm.s32 $0x1  }
0x5: {  	s1 =	sand.u32 $0x1, s1;
	s5 =	sshll.u32 s4, $0x8;
	s4 =	simm.s32 $0x0  }
0x6: {  	s28 =	sadd.s32 $0x100, s2;
	s7 =	sadd.s32 $0x200, s2;
	s8 =	sadd.s32 $0x300, s2  }
0x7: {  	s9 =	sadd.s32 $0x400, s2;
	s10 =	sadd.s32 $0x500, s2;
	s11 =	sadd.s32 $0x600, s2  }
0x8: {  	s12 =	sadd.s32 $0x700, s2;
	s13 =	sadd.s32 $0x100, s3;
	s14 =	sadd.s32 $0x200, s3  }
0x9: {  	s15 =	sadd.s32 $0x300, s3;
	s16 =	sadd.s32 $0x400, s3;
	s17 =	sadd.s32 $0x500, s3  }
0xa: {  	s18 =	sadd.s32 $0x600, s3;
	s6 =	sshll.u32 s1, $0x7;
	s1 =	ssub.s32 $0x2, s1  }
0xb: {  	[smem:$0x7FF] =	sst s4;
	s5 =	sor.u32 s6, s5;
	s25 =	sshrl.u32 s1, $0x1  }
0xc: {  	v2 =	vlaneseq.u32;
	_ =	strace $0x80000047;
	[dreg:$0x5] =	wrdreg s31;
	s5 =	sadd.s32 s0, s5  }
0xd: {  	vm0 =	vmmov $0xffff;
	v1 =	vshrl.u32 v2, $0x3;
	s26 =	ssub.s32 s1, s25;
	[dreg:$0x6] =	wrdreg s5;
	s29 =	sadd.s32 $0x1000, s5  }
0xe: {  	s19 =	sadd.s32 $0x700, s3;
	v0 =	vand.u32 $0x7, v2;
	v2 =	vor.u32 $0x8, v2;
	v1 =	vmul.u32 $0x8, v1;
	s1 =	smax.u32 s26, $0x1;
	[dreg:$0x4] =	wrdreg s29  }
.LBB2_1:
0xf: {  	[dreg:$0x7] =	wrdreg s1  }
0x10: {  	s0 =	rddreg [dreg:$0x6];
	s2 =	simm.s32 $0x3  }
0x11: {  	[tilespmem:s4], [sflag:$0x3] =	stream.linear.gather [hbm4b:s0+s4], $0x400, $0x38;
	[tilespmem:$0x18800] =	vst v63  }
0x12: {  	_ =	swait.ge [sflag:s2], $0x400  }
0x13: {  	s31 =	rddreg [dreg:$0x4];
	[sflag:s2] =	ssyncset.done $0x0  }
0x14: {  	s3 =	rddreg [dreg:$0x5];
	[sflag:s2] =	ssyncadd.s32 $0xFFFFFC00  }
0x15: {  	[tilespmem:s3], [sflag:$0x3] =	stream.linear.gather [hbm4b:s31+s4], $0x400, $0x38;
	[tilespmem:$0x18800] =	vst v63  }
0x16: {  	_ =	swait.ge [sflag:s2], $0x400  }
0x17: {  	[sflag:s2] =	ssyncset.done $0x0  }
0x18: {  	[sflag:s2] =	ssyncadd.s32 $0xFFFFFC00  }
0x19: {  	v3 =	vld [tilespmem:$0x400];
	_ =	sdelay $0x4  }
0x1a: {  	v4 =	vshll.u32 v3, $0x4  }
0x1b: {  	v3 =	vand.u32 $0x7, v3;
	v4 =	vand.u32 $0xFFFFFF80, v4  }
0x1c: {  	v3 =	vor.u32 v3, v4  }
0x1d: {  	v4 =	vperm.xlane v3, v0;
	_ =	sdelay $0x1  }
0x1e: {  	v4 =	vadd.s32 v1, v4;
	_ =	sdelay $0x3  }
0x1f: {  	s5 =	simm.s32 $0x800;
	s3 =	rddreg [dreg:$0x0]  }
0x20: {  	[tilespmem:s5], [sflag:$0x1] =	stream.indirect_vreg.gather [hbm4b:s3+s4], $0x80, v4, vm0, $0xb8;
	[tilespmem:$0x18800] =	vst v63  }
0x21: {  	s6 =	simm.s32 $0x1000  }
0x22: {  	[tilespmem:s6], [sflag:$0x1] =	stream.indirect_vreg.gather [hbm4b:s28+s4], $0x80, v4, vm0, $0xb8;
	[tilespmem:$0x18800] =	vst v63  }
0x23: {  	s20 =	simm.s32 $0x1800  }
0x24: {  	[tilespmem:s20], [sflag:$0x1] =	stream.indirect_vreg.gather [hbm4b:s7+s4], $0x80, v4, vm0, $0xb8;
	[tilespmem:$0x18800] =	vst v63  }
0x25: {  	s21 =	simm.s32 $0x2000  }
0x26: {  	[tilespmem:s21], [sflag:$0x1] =	stream.indirect_vreg.gather [hbm4b:s8+s4], $0x80, v4, vm0, $0xb8;
	[tilespmem:$0x18800] =	vst v63  }
0x27: {  	s22 =	simm.s32 $0x2800  }
0x28: {  	[tilespmem:s22], [sflag:$0x1] =	stream.indirect_vreg.gather [hbm4b:s9+s4], $0x80, v4, vm0, $0xb8;
	[tilespmem:$0x18800] =	vst v63  }
0x29: {  	s23 =	simm.s32 $0x3000;
	v3 =	vperm.xlane v3, v2  }
0x2a: {  	[tilespmem:s23], [sflag:$0x1] =	stream.indirect_vreg.gather [hbm4b:s10+s4], $0x80, v4, vm0, $0xb8;
	[tilespmem:$0x18800] =	vst v63  }
0x2b: {  	s24 =	simm.s32 $0x3800;
	v3 =	vadd.s32 v1, v3  }
0x2c: {  	[tilespmem:s24], [sflag:$0x1] =	stream.indirect_vreg.gather [hbm4b:s11+s4], $0x80, v4, vm0, $0xb8;
	[tilespmem:$0x18800] =	vst v63  }
0x2d: {  	s25 =	simm.s32 $0x4000  }
0x2e: {  	[tilespmem:s25], [sflag:$0x1] =	stream.indirect_vreg.gather [hbm4b:s12+s4], $0x80, v4, vm0, $0xb8;
	[tilespmem:$0x18800] =	vst v63  }
0x2f: {  	s26 =	simm.s32 $0x4800  }
0x30: {  	[tilespmem:s26], [sflag:$0x1] =	stream.indirect_vreg.gather [hbm4b:s3+s4], $0x80, v3, vm0, $0xb8;
	[tilespmem:$0x18800] =	vst v63  }
0x31: {  	s31 =	simm.s32 $0x5000  }
0x32: {  	[tilespmem:s31], [sflag:$0x1] =	stream.indirect_vreg.gather [hbm4b:s28+s4], $0x80, v3, vm0, $0xb8;
	[tilespmem:$0x18800] =	vst v63  }
0x33: {  	s1 =	simm.s32 $0x5800  }
0x34: {  	[tilespmem:s1], [sflag:$0x1] =	stream.indirect_vreg.gather [hbm4b:s7+s4], $0x80, v3, vm0, $0xb8;
	[tilespmem:$0x18800] =	vst v63  }
0x35: {  	s2 =	simm.s32 $0x6000  }
0x36: {  	[tilespmem:s2], [sflag:$0x1] =	stream.indirect_vreg.gather [hbm4b:s8+s4], $0x80, v3, vm0, $0xb8;
	[tilespmem:$0x18800] =	vst v63  }
0x37: {  	s5 =	simm.s32 $0x6800  }
0x38: {  	[tilespmem:s5], [sflag:$0x1] =	stream.indirect_vreg.gather [hbm4b:s9+s4], $0x80, v3, vm0, $0xb8;
	[tilespmem:$0x18800] =	vst v63  }
0x39: {  	s6 =	simm.s32 $0x7000  }
0x3a: {  	[tilespmem:s6], [sflag:$0x1] =	stream.indirect_vreg.gather [hbm4b:s10+s4], $0x80, v3, vm0, $0xb8;
	[tilespmem:$0x18800] =	vst v63  }
0x3b: {  	s22 =	simm.s32 $0x7800  }
0x3c: {  	[tilespmem:s22], [sflag:$0x1] =	stream.indirect_vreg.gather [hbm4b:s11+s4], $0x80, v3, vm0, $0xb8;
	[tilespmem:$0x18800] =	vst v63  }
0x3d: {  	s23 =	simm.s32 $0x8000  }
0x3e: {  	[tilespmem:s23], [sflag:$0x1] =	stream.indirect_vreg.gather [hbm4b:s12+s4], $0x80, v3, vm0, $0xb8;
	[tilespmem:$0x18800] =	vst v63  }
0x3f: {  	v3 =	vld [tilespmem:$0x480];
	_ =	sdelay $0x4  }
0x40: {  	v49 =	vshll.u32 v3, $0x4  }
0x41: {  	v3 =	vand.u32 $0x7, v3;
	v4 =	vand.u32 $0xFFFFFF80, v49  }
0x42: {  	v3 =	vor.u32 v3, v4  }
0x43: {  	v4 =	vperm.xlane v3, v0;
	_ =	sdelay $0x1  }
0x44: {  	v4 =	vadd.s32 v1, v4;
	_ =	sdelay $0x3  }
0x45: {  	s24 =	simm.s32 $0x8800  }
0x46: {  	[tilespmem:s24], [sflag:$0x1] =	stream.indirect_vreg.gather [hbm4b:s3+s4], $0x80, v4, vm0, $0xb8;
	[tilespmem:$0x18800] =	vst v63  }
0x47: {  	s25 =	simm.s32 $0x9000  }
0x48: {  	[tilespmem:s25], [sflag:$0x1] =	stream.indirect_vreg.gather [hbm4b:s28+s4], $0x80, v4, vm0, $0xb8;
	[tilespmem:$0x18800] =	vst v63  }
0x49: {  	s26 =	simm.s32 $0x9800  }
0x4a: {  	[tilespmem:s26], [sflag:$0x1] =	stream.indirect_vreg.gather [hbm4b:s7+s4], $0x80, v4, vm0, $0xb8;
	[tilespmem:$0x18800] =	vst v63  }
0x4b: {  	s31 =	simm.s32 $0xA000  }
0x4c: {  	[tilespmem:s31], [sflag:$0x1] =	stream.indirect_vreg.gather [hbm4b:s8+s4], $0x80, v4, vm0, $0xb8;
	[tilespmem:$0x18800] =	vst v63  }
0x4d: {  	s1 =	simm.s32 $0xA800  }
0x4e: {  	[tilespmem:s1], [sflag:$0x1] =	stream.indirect_vreg.gather [hbm4b:s9+s4], $0x80, v4, vm0, $0xb8;
	[tilespmem:$0x18800] =	vst v63  }
0x4f: {  	s2 =	simm.s32 $0xB000;
	v3 =	vperm.xlane v3, v2  }
0x50: {  	[tilespmem:s2], [sflag:$0x1] =	stream.indirect_vreg.gather [hbm4b:s10+s4], $0x80, v4, vm0, $0xb8;
	[tilespmem:$0x18800] =	vst v63  }
0x51: {  	s5 =	simm.s32 $0xB800;
	v3 =	vadd.s32 v1, v3  }
0x52: {  	[tilespmem:s5], [sflag:$0x1] =	stream.indirect_vreg.gather [hbm4b:s11+s4], $0x80, v4, vm0, $0xb8;
	[tilespmem:$0x18800] =	vst v63  }
0x53: {  	s6 =	simm.s32 $0xC000  }
0x54: {  	[tilespmem:s6], [sflag:$0x1] =	stream.indirect_vreg.gather [hbm4b:s12+s4], $0x80, v4, vm0, $0xb8;
	[tilespmem:$0x18800] =	vst v63  }
0x55: {  	s22 =	simm.s32 $0xC800  }
0x56: {  	[tilespmem:s22], [sflag:$0x1] =	stream.indirect_vreg.gather [hbm4b:s3+s4], $0x80, v3, vm0, $0xb8;
	[tilespmem:$0x18800] =	vst v63  }
0x57: {  	s23 =	simm.s32 $0xD000  }
0x58: {  	[tilespmem:s23], [sflag:$0x1] =	stream.indirect_vreg.gather [hbm4b:s28+s4], $0x80, v3, vm0, $0xb8;
	[tilespmem:$0x18800] =	vst v63  }
0x59: {  	s24 =	simm.s32 $0xD800  }
0x5a: {  	[tilespmem:s24], [sflag:$0x1] =	stream.indirect_vreg.gather [hbm4b:s7+s4], $0x80, v3, vm0, $0xb8;
	[tilespmem:$0x18800] =	vst v63  }
0x5b: {  	s25 =	simm.s32 $0xE000  }
0x5c: {  	[tilespmem:s25], [sflag:$0x1] =	stream.indirect_vreg.gather [hbm4b:s8+s4], $0x80, v3, vm0, $0xb8;
	[tilespmem:$0x18800] =	vst v63  }
0x5d: {  	s26 =	simm.s32 $0xE800  }
0x5e: {  	[tilespmem:s26], [sflag:$0x1] =	stream.indirect_vreg.gather [hbm4b:s9+s4], $0x80, v3, vm0, $0xb8;
	[tilespmem:$0x18800] =	vst v63  }
0x5f: {  	s31 =	simm.s32 $0xF000  }
0x60: {  	[tilespmem:s31], [sflag:$0x1] =	stream.indirect_vreg.gather [hbm4b:s10+s4], $0x80, v3, vm0, $0xb8;
	[tilespmem:$0x18800] =	vst v63  }
0x61: {  	s1 =	simm.s32 $0xF800  }
0x62: {  	[tilespmem:s1], [sflag:$0x1] =	stream.indirect_vreg.gather [hbm4b:s11+s4], $0x80, v3, vm0, $0xb8;
	[tilespmem:$0x18800] =	vst v63  }
0x63: {  	s2 =	simm.s32 $0x10000  }
0x64: {  	[tilespmem:s2], [sflag:$0x1] =	stream.indirect_vreg.gather [hbm4b:s12+s4], $0x80, v3, vm0, $0xb8;
	[tilespmem:$0x18800] =	vst v63  }
0x65: {  	v3 =	vld [tilespmem:$0x500];
	_ =	sdelay $0x4  }
0x66: {  	v50 =	vshll.u32 v3, $0x4  }
0x67: {  	v3 =	vand.u32 $0x7, v3;
	v4 =	vand.u32 $0xFFFFFF80, v50  }
0x68: {  	v3 =	vor.u32 v3, v4  }
0x69: {  	v4 =	vperm.xlane v3, v0;
	_ =	sdelay $0x1  }
0x6a: {  	v4 =	vadd.s32 v1, v4;
	_ =	sdelay $0x3  }
0x6b: {  	s5 =	simm.s32 $0x10800  }
0x6c: {  	[tilespmem:s5], [sflag:$0x1] =	stream.indirect_vreg.gather [hbm4b:s3+s4], $0x80, v4, vm0, $0xb8;
	[tilespmem:$0x18800] =	vst v63  }
0x6d: {  	s6 =	simm.s32 $0x11000  }
0x6e: {  	[tilespmem:s6], [sflag:$0x1] =	stream.indirect_vreg.gather [hbm4b:s28+s4], $0x80, v4, vm0, $0xb8;
	[tilespmem:$0x18800] =	vst v63  }
0x6f: {  	s22 =	simm.s32 $0x11800  }
0x70: {  	[tilespmem:s22], [sflag:$0x1] =	stream.indirect_vreg.gather [hbm4b:s7+s4], $0x80, v4, vm0, $0xb8;
	[tilespmem:$0x18800] =	vst v63  }
0x71: {  	s23 =	simm.s32 $0x12000  }
0x72: {  	[tilespmem:s23], [sflag:$0x1] =	stream.indirect_vreg.gather [hbm4b:s8+s4], $0x80, v4, vm0, $0xb8;
	[tilespmem:$0x18800] =	vst v63  }
0x73: {  	s24 =	simm.s32 $0x12800  }
0x74: {  	[tilespmem:s24], [sflag:$0x1] =	stream.indirect_vreg.gather [hbm4b:s9+s4], $0x80, v4, vm0, $0xb8;
	[tilespmem:$0x18800] =	vst v63  }
0x75: {  	s25 =	simm.s32 $0x13000;
	v3 =	vperm.xlane v3, v2  }
0x76: {  	[tilespmem:s25], [sflag:$0x1] =	stream.indirect_vreg.gather [hbm4b:s10+s4], $0x80, v4, vm0, $0xb8;
	[tilespmem:$0x18800] =	vst v63  }
0x77: {  	s26 =	simm.s32 $0x13800;
	v3 =	vadd.s32 v1, v3  }
0x78: {  	[tilespmem:s26], [sflag:$0x1] =	stream.indirect_vreg.gather [hbm4b:s11+s4], $0x80, v4, vm0, $0xb8;
	[tilespmem:$0x18800] =	vst v63  }
0x79: {  	s31 =	simm.s32 $0x14000  }
0x7a: {  	[tilespmem:s31], [sflag:$0x1] =	stream.indirect_vreg.gather [hbm4b:s12+s4], $0x80, v4, vm0, $0xb8;
	[tilespmem:$0x18800] =	vst v63  }
0x7b: {  	s1 =	simm.s32 $0x14800  }
0x7c: {  	[tilespmem:s1], [sflag:$0x1] =	stream.indirect_vreg.gather [hbm4b:s3+s4], $0x80, v3, vm0, $0xb8;
	[tilespmem:$0x18800] =	vst v63  }
0x7d: {  	s2 =	simm.s32 $0x15000  }
0x7e: {  	[tilespmem:s2], [sflag:$0x1] =	stream.indirect_vreg.gather [hbm4b:s28+s4], $0x80, v3, vm0, $0xb8;
	[tilespmem:$0x18800] =	vst v63  }
0x7f: {  	s5 =	simm.s32 $0x15800  }
0x80: {  	[tilespmem:s5], [sflag:$0x1] =	stream.indirect_vreg.gather [hbm4b:s7+s4], $0x80, v3, vm0, $0xb8;
	[tilespmem:$0x18800] =	vst v63  }
0x81: {  	s6 =	simm.s32 $0x16000  }
0x82: {  	[tilespmem:s6], [sflag:$0x1] =	stream.indirect_vreg.gather [hbm4b:s8+s4], $0x80, v3, vm0, $0xb8;
	[tilespmem:$0x18800] =	vst v63  }
0x83: {  	s22 =	simm.s32 $0x16800  }
0x84: {  	[tilespmem:s22], [sflag:$0x1] =	stream.indirect_vreg.gather [hbm4b:s9+s4], $0x80, v3, vm0, $0xb8;
	[tilespmem:$0x18800] =	vst v63  }
0x85: {  	s23 =	simm.s32 $0x17000  }
0x86: {  	[tilespmem:s23], [sflag:$0x1] =	stream.indirect_vreg.gather [hbm4b:s10+s4], $0x80, v3, vm0, $0xb8;
	[tilespmem:$0x18800] =	vst v63  }
0x87: {  	s24 =	simm.s32 $0x17800  }
0x88: {  	[tilespmem:s24], [sflag:$0x1] =	stream.indirect_vreg.gather [hbm4b:s11+s4], $0x80, v3, vm0, $0xb8;
	[tilespmem:$0x18800] =	vst v63  }
0x89: {  	s25 =	simm.s32 $0x18000  }
0x8a: {  	[tilespmem:s25], [sflag:$0x1] =	stream.indirect_vreg.gather [hbm4b:s12+s4], $0x80, v3, vm0, $0xb8;
	[tilespmem:$0x18800] =	vst v63  }
0x8b: {  	_ =	swait.ge [sflag:s30], $0x8000  }
0x8c: {  	[sflag:s30] =	ssyncset.done $0x0  }
0x8d: {  	[sflag:s30] =	ssyncadd.s32 $0xFFFF8000  }
0x8e: {  	v3 =	vld [tilespmem:$0x0];
	_ =	sdelay $0x4  }
0x8f: {  	v51 =	vshll.u32 v3, $0x4  }
0x90: {  	v3 =	vand.u32 $0x7, v3;
	v4 =	vand.u32 $0xFFFFFF80, v51  }
0x91: {  	v3 =	vor.u32 v3, v4  }
0x92: {  	v4 =	vperm.xlane v3, v0;
	_ =	sdelay $0x1  }
0x93: {  	v4 =	vadd.s32 v1, v4;
	_ =	sdelay $0x3  }
0x94: {  	s1 =	simm.s32 $0x800;
	s31 =	rddreg [dreg:$0x2]  }
0x95: {  	[hbm4b:s31+s4] =	stream.indirect_vreg.scatter [tilespmem:s1], [sflag:$0x2], $0x80, v4, vm0, $0xb8;
	[tilespmem:$0x18800] =	vst v63  }
0x96: {  	s2 =	simm.s32 $0x1000  }
0x97: {  	[hbm4b:s13+s4] =	stream.indirect_vreg.scatter [tilespmem:s2], [sflag:$0x2], $0x80, v4, vm0, $0xb8;
	[tilespmem:$0x18800] =	vst v63  }
0x98: {  	s5 =	simm.s32 $0x1800  }
0x99: {  	[hbm4b:s14+s4] =	stream.indirect_vreg.scatter [tilespmem:s5], [sflag:$0x2], $0x80, v4, vm0, $0xb8;
	[tilespmem:$0x18800] =	vst v63  }
0x9a: {  	s6 =	simm.s32 $0x2000  }
0x9b: {  	[hbm4b:s15+s4] =	stream.indirect_vreg.scatter [tilespmem:s6], [sflag:$0x2], $0x80, v4, vm0, $0xb8;
	[tilespmem:$0x18800] =	vst v63  }
0x9c: {  	s21 =	simm.s32 $0x2800  }
0x9d: {  	[hbm4b:s16+s4] =	stream.indirect_vreg.scatter [tilespmem:s21], [sflag:$0x2], $0x80, v4, vm0, $0xb8;
	[tilespmem:$0x18800] =	vst v63  }
0x9e: {  	s26 =	simm.s32 $0x3000;
	v3 =	vperm.xlane v3, v2  }
0x9f: {  	[hbm4b:s17+s4] =	stream.indirect_vreg.scatter [tilespmem:s26], [sflag:$0x2], $0x80, v4, vm0, $0xb8;
	[tilespmem:$0x18800] =	vst v63  }
0xa0: {  	s20 =	simm.s32 $0x3800;
	v3 =	vadd.s32 v1, v3  }
0xa1: {  	[hbm4b:s18+s4] =	stream.indirect_vreg.scatter [tilespmem:s20], [sflag:$0x2], $0x80, v4, vm0, $0xb8;
	[tilespmem:$0x18800] =	vst v63  }
0xa2: {  	s29 =	simm.s32 $0x4000  }
0xa3: {  	[hbm4b:s19+s4] =	stream.indirect_vreg.scatter [tilespmem:s29], [sflag:$0x2], $0x80, v4, vm0, $0xb8;
	[tilespmem:$0x18800] =	vst v63  }
0xa4: {  	s20 =	simm.s32 $0x4800  }
0xa5: {  	[hbm4b:s31+s4] =	stream.indirect_vreg.scatter [tilespmem:s20], [sflag:$0x2], $0x80, v3, vm0, $0xb8;
	[tilespmem:$0x18800] =	vst v63  }
0xa6: {  	s29 =	simm.s32 $0x5000  }
0xa7: {  	[hbm4b:s13+s4] =	stream.indirect_vreg.scatter [tilespmem:s29], [sflag:$0x2], $0x80, v3, vm0, $0xb8;
	[tilespmem:$0x18800] =	vst v63  }
0xa8: {  	s21 =	simm.s32 $0x5800  }
0xa9: {  	[hbm4b:s14+s4] =	stream.indirect_vreg.scatter [tilespmem:s21], [sflag:$0x2], $0x80, v3, vm0, $0xb8;
	[tilespmem:$0x18800] =	vst v63  }
0xaa: {  	s23 =	simm.s32 $0x6000  }
0xab: {  	[hbm4b:s15+s4] =	stream.indirect_vreg.scatter [tilespmem:s23], [sflag:$0x2], $0x80, v3, vm0, $0xb8;
	[tilespmem:$0x18800] =	vst v63  }
0xac: {  	s24 =	simm.s32 $0x6800  }
0xad: {  	[hbm4b:s16+s4] =	stream.indirect_vreg.scatter [tilespmem:s24], [sflag:$0x2], $0x80, v3, vm0, $0xb8;
	[tilespmem:$0x18800] =	vst v63  }
0xae: {  	s25 =	simm.s32 $0x7000  }
0xaf: {  	[hbm4b:s17+s4] =	stream.indirect_vreg.scatter [tilespmem:s25], [sflag:$0x2], $0x80, v3, vm0, $0xb8;
	[tilespmem:$0x18800] =	vst v63  }
0xb0: {  	s26 =	simm.s32 $0x7800  }
0xb1: {  	[hbm4b:s18+s4] =	stream.indirect_vreg.scatter [tilespmem:s26], [sflag:$0x2], $0x80, v3, vm0, $0xb8;
	[tilespmem:$0x18800] =	vst v63  }
0xb2: {  	s0 =	simm.s32 $0x2;
	s22 =	simm.s32 $0x8000  }
0xb3: {  	[hbm4b:s19+s4] =	stream.indirect_vreg.scatter [tilespmem:s22], [sflag:$0x2], $0x80, v3, vm0, $0xb8;
	[tilespmem:$0x18800] =	vst v63  }
0xb4: {  	_ =	swait.ge [sflag:s0], $0x8000  }
0xb5: {  	[sflag:s0] =	ssyncset.done $0x0  }
0xb6: {  	[sflag:s0] =	ssyncadd.s32 $0xFFFF8000  }
0xb7: {  	v3 =	vld [tilespmem:$0x580];
	_ =	sdelay $0x4  }
0xb8: {  	v52 =	vshll.u32 v3, $0x4  }
0xb9: {  	v3 =	vand.u32 $0x7, v3;
	v4 =	vand.u32 $0xFFFFFF80, v52  }
0xba: {  	v3 =	vor.u32 v3, v4  }
0xbb: {  	v4 =	vperm.xlane v3, v0;
	_ =	sdelay $0x1  }
0xbc: {  	v4 =	vadd.s32 v1, v4;
	_ =	sdelay $0x4  }
0xbd: {  	[tilespmem:s1], [sflag:$0x1] =	stream.indirect_vreg.gather [hbm4b:s3+s4], $0x80, v4, vm0, $0xb8;
	[tilespmem:$0x18800] =	vst v63  }
0xbe: {  	_ = 	snop  }
0xbf: {  	[tilespmem:s2], [sflag:$0x1] =	stream.indirect_vreg.gather [hbm4b:s28+s4], $0x80, v4, vm0, $0xb8;
	[tilespmem:$0x18800] =	vst v63  }
0xc0: {  	_ = 	snop  }
0xc1: {  	[tilespmem:s5], [sflag:$0x1] =	stream.indirect_vreg.gather [hbm4b:s7+s4], $0x80, v4, vm0, $0xb8;
	[tilespmem:$0x18800] =	vst v63  }
0xc2: {  	_ = 	snop  }
0xc3: {  	[tilespmem:s6], [sflag:$0x1] =	stream.indirect_vreg.gather [hbm4b:s8+s4], $0x80, v4, vm0, $0xb8;
	[tilespmem:$0x18800] =	vst v63  }
0xc4: {  	s6 =	simm.s32 $0x2800  }
0xc5: {  	[tilespmem:s6], [sflag:$0x1] =	stream.indirect_vreg.gather [hbm4b:s9+s4], $0x80, v4, vm0, $0xb8;
	[tilespmem:$0x18800] =	vst v63  }
0xc6: {  	v3 =	vperm.xlane v3, v2;
	s2 =	simm.s32 $0x3000  }
0xc7: {  	[tilespmem:s2], [sflag:$0x1] =	stream.indirect_vreg.gather [hbm4b:s10+s4], $0x80, v4, vm0, $0xb8;
	[tilespmem:$0x18800] =	vst v63  }
0xc8: {  	v3 =	vadd.s32 v1, v3;
	s5 =	simm.s32 $0x3800  }
0xc9: {  	[tilespmem:s5], [sflag:$0x1] =	stream.indirect_vreg.gather [hbm4b:s11+s4], $0x80, v4, vm0, $0xb8;
	[tilespmem:$0x18800] =	vst v63  }
0xca: {  	s6 =	simm.s32 $0x4000  }
0xcb: {  	[tilespmem:s6], [sflag:$0x1] =	stream.indirect_vreg.gather [hbm4b:s12+s4], $0x80, v4, vm0, $0xb8;
	[tilespmem:$0x18800] =	vst v63  }
0xcc: {  	_ = 	snop  }
0xcd: {  	[tilespmem:s20], [sflag:$0x1] =	stream.indirect_vreg.gather [hbm4b:s3+s4], $0x80, v3, vm0, $0xb8;
	[tilespmem:$0x18800] =	vst v63  }
0xce: {  	_ = 	snop  }
0xcf: {  	[tilespmem:s29], [sflag:$0x1] =	stream.indirect_vreg.gather [hbm4b:s28+s4], $0x80, v3, vm0, $0xb8;
	[tilespmem:$0x18800] =	vst v63  }
0xd0: {  	_ = 	snop  }
0xd1: {  	[tilespmem:s21], [sflag:$0x1] =	stream.indirect_vreg.gather [hbm4b:s7+s4], $0x80, v3, vm0, $0xb8;
	[tilespmem:$0x18800] =	vst v63  }
0xd2: {  	_ = 	snop  }
0xd3: {  	[tilespmem:s23], [sflag:$0x1] =	stream.indirect_vreg.gather [hbm4b:s8+s4], $0x80, v3, vm0, $0xb8;
	[tilespmem:$0x18800] =	vst v63  }
0xd4: {  	_ = 	snop  }
0xd5: {  	[tilespmem:s24], [sflag:$0x1] =	stream.indirect_vreg.gather [hbm4b:s9+s4], $0x80, v3, vm0, $0xb8;
	[tilespmem:$0x18800] =	vst v63  }
0xd6: {  	_ = 	snop  }
0xd7: {  	[tilespmem:s25], [sflag:$0x1] =	stream.indirect_vreg.gather [hbm4b:s10+s4], $0x80, v3, vm0, $0xb8;
	[tilespmem:$0x18800] =	vst v63  }
0xd8: {  	_ = 	snop  }
0xd9: {  	[tilespmem:s26], [sflag:$0x1] =	stream.indirect_vreg.gather [hbm4b:s11+s4], $0x80, v3, vm0, $0xb8;
	[tilespmem:$0x18800] =	vst v63  }
0xda: {  	_ = 	snop  }
0xdb: {  	[tilespmem:s22], [sflag:$0x1] =	stream.indirect_vreg.gather [hbm4b:s12+s4], $0x80, v3, vm0, $0xb8;
	[tilespmem:$0x18800] =	vst v63  }
0xdc: {  	_ =	swait.ge [sflag:s30], $0x8000  }
0xdd: {  	[sflag:s30] =	ssyncset.done $0x0  }
0xde: {  	[sflag:s30] =	ssyncadd.s32 $0xFFFF8000  }
0xdf: {  	v3 =	vld [tilespmem:$0x80];
	_ =	sdelay $0x4  }
0xe0: {  	v53 =	vshll.u32 v3, $0x4  }
0xe1: {  	v3 =	vand.u32 $0x7, v3;
	v4 =	vand.u32 $0xFFFFFF80, v53  }
0xe2: {  	v3 =	vor.u32 v3, v4  }
0xe3: {  	v4 =	vperm.xlane v3, v0;
	_ =	sdelay $0x1  }
0xe4: {  	v4 =	vadd.s32 v1, v4;
	_ =	sdelay $0x3  }
0xe5: {  	s2 =	simm.s32 $0x8800  }
0xe6: {  	[hbm4b:s31+s4] =	stream.indirect_vreg.scatter [tilespmem:s2], [sflag:$0x2], $0x80, v4, vm0, $0xb8;
	[tilespmem:$0x18800] =	vst v63  }
0xe7: {  	s24 =	simm.s32 $0x9000  }
0xe8: {  	[hbm4b:s13+s4] =	stream.indirect_vreg.scatter [tilespmem:s24], [sflag:$0x2], $0x80, v4, vm0, $0xb8;
	[tilespmem:$0x18800] =	vst v63  }
0xe9: {  	s1 =	simm.s32 $0x9800  }
0xea: {  	[hbm4b:s14+s4] =	stream.indirect_vreg.scatter [tilespmem:s1], [sflag:$0x2], $0x80, v4, vm0, $0xb8;
	[tilespmem:$0x18800] =	vst v63  }
0xeb: {  	s5 =	simm.s32 $0xA000  }
0xec: {  	[hbm4b:s15+s4] =	stream.indirect_vreg.scatter [tilespmem:s5], [sflag:$0x2], $0x80, v4, vm0, $0xb8;
	[tilespmem:$0x18800] =	vst v63  }
0xed: {  	s20 =	simm.s32 $0xA800  }
0xee: {  	[hbm4b:s16+s4] =	stream.indirect_vreg.scatter [tilespmem:s20], [sflag:$0x2], $0x80, v4, vm0, $0xb8;
	[tilespmem:$0x18800] =	vst v63  }
0xef: {  	s21 =	simm.s32 $0xB000;
	v3 =	vperm.xlane v3, v2  }
0xf0: {  	[hbm4b:s17+s4] =	stream.indirect_vreg.scatter [tilespmem:s21], [sflag:$0x2], $0x80, v4, vm0, $0xb8;
	[tilespmem:$0x18800] =	vst v63  }
0xf1: {  	v3 =	vadd.s32 v1, v3;
	s20 =	simm.s32 $0xB800  }
0xf2: {  	[hbm4b:s18+s4] =	stream.indirect_vreg.scatter [tilespmem:s20], [sflag:$0x2], $0x80, v4, vm0, $0xb8;
	[tilespmem:$0x18800] =	vst v63  }
0xf3: {  	s26 =	simm.s32 $0xC000  }
0xf4: {  	[hbm4b:s19+s4] =	stream.indirect_vreg.scatter [tilespmem:s26], [sflag:$0x2], $0x80, v4, vm0, $0xb8;
	[tilespmem:$0x18800] =	vst v63  }
0xf5: {  	s21 =	simm.s32 $0xC800  }
0xf6: {  	[hbm4b:s31+s4] =	stream.indirect_vreg.scatter [tilespmem:s21], [sflag:$0x2], $0x80, v3, vm0, $0xb8;
	[tilespmem:$0x18800] =	vst v63  }
0xf7: {  	s29 =	simm.s32 $0xD000  }
0xf8: {  	[hbm4b:s13+s4] =	stream.indirect_vreg.scatter [tilespmem:s29], [sflag:$0x2], $0x80, v3, vm0, $0xb8;
	[tilespmem:$0x18800] =	vst v63  }
0xf9: {  	s23 =	simm.s32 $0xD800  }
0xfa: {  	[hbm4b:s14+s4] =	stream.indirect_vreg.scatter [tilespmem:s23], [sflag:$0x2], $0x80, v3, vm0, $0xb8;
	[tilespmem:$0x18800] =	vst v63  }
0xfb: {  	s31 =	simm.s32 $0xE000  }
0xfc: {  	[hbm4b:s15+s4] =	stream.indirect_vreg.scatter [tilespmem:s31], [sflag:$0x2], $0x80, v3, vm0, $0xb8;
	[tilespmem:$0x18800] =	vst v63  }
0xfd: {  	s25 =	simm.s32 $0xE800  }
0xfe: {  	[hbm4b:s16+s4] =	stream.indirect_vreg.scatter [tilespmem:s25], [sflag:$0x2], $0x80, v3, vm0, $0xb8;
	[tilespmem:$0x18800] =	vst v63  }
0xff: {  	s6 =	simm.s32 $0xF000  }
0x100: {  	[hbm4b:s17+s4] =	stream.indirect_vreg.scatter [tilespmem:s6], [sflag:$0x2], $0x80, v3, vm0, $0xb8;
	[tilespmem:$0x18800] =	vst v63  }
0x101: {  	s22 =	simm.s32 $0xF800  }
0x102: {  	[hbm4b:s18+s4] =	stream.indirect_vreg.scatter [tilespmem:s22], [sflag:$0x2], $0x80, v3, vm0, $0xb8;
	[tilespmem:$0x18800] =	vst v63  }
0x103: {  	s3 =	simm.s32 $0x10000  }
0x104: {  	[hbm4b:s19+s4] =	stream.indirect_vreg.scatter [tilespmem:s3], [sflag:$0x2], $0x80, v3, vm0, $0xb8;
	[tilespmem:$0x18800] =	vst v63  }
0x105: {  	_ =	swait.ge [sflag:s0], $0x8000  }
0x106: {  	[sflag:s0] =	ssyncset.done $0x0  }
0x107: {  	[sflag:s0] =	ssyncadd.s32 $0xFFFF8000  }
0x108: {  	v3 =	vld [tilespmem:$0x600];
	_ =	sdelay $0x4  }
0x109: {  	v54 =	vshll.u32 v3, $0x4  }
0x10a: {  	v3 =	vand.u32 $0x7, v3;
	v4 =	vand.u32 $0xFFFFFF80, v54  }
0x10b: {  	v3 =	vor.u32 v3, v4  }
0x10c: {  	v4 =	vperm.xlane v3, v0;
	_ =	sdelay $0x1  }
0x10d: {  	v4 =	vadd.s32 v1, v4;
	_ =	sdelay $0x3  }
0x10e: {  	s22 =	rddreg [dreg:$0x0]  }
0x10f: {  	[tilespmem:s2], [sflag:$0x1] =	stream.indirect_vreg.gather [hbm4b:s22+s4], $0x80, v4, vm0, $0xb8;
	[tilespmem:$0x18800] =	vst v63  }
0x110: {  	_ = 	snop  }
0x111: {  	[tilespmem:s24], [sflag:$0x1] =	stream.indirect_vreg.gather [hbm4b:s28+s4], $0x80, v4, vm0, $0xb8;
	[tilespmem:$0x18800] =	vst v63  }
0x112: {  	_ = 	snop  }
0x113: {  	[tilespmem:s1], [sflag:$0x1] =	stream.indirect_vreg.gather [hbm4b:s7+s4], $0x80, v4, vm0, $0xb8;
	[tilespmem:$0x18800] =	vst v63  }
0x114: {  	_ = 	snop  }
0x115: {  	[tilespmem:s5], [sflag:$0x1] =	stream.indirect_vreg.gather [hbm4b:s8+s4], $0x80, v4, vm0, $0xb8;
	[tilespmem:$0x18800] =	vst v63  }
0x116: {  	s2 =	simm.s32 $0xA800  }
0x117: {  	[tilespmem:s2], [sflag:$0x1] =	stream.indirect_vreg.gather [hbm4b:s9+s4], $0x80, v4, vm0, $0xb8;
	[tilespmem:$0x18800] =	vst v63  }
0x118: {  	v3 =	vperm.xlane v3, v2;
	s5 =	simm.s32 $0xB000  }
0x119: {  	[tilespmem:s5], [sflag:$0x1] =	stream.indirect_vreg.gather [hbm4b:s10+s4], $0x80, v4, vm0, $0xb8;
	[tilespmem:$0x18800] =	vst v63  }
0x11a: {  	v3 =	vadd.s32 v1, v3  }
0x11b: {  	[tilespmem:s20], [sflag:$0x1] =	stream.indirect_vreg.gather [hbm4b:s11+s4], $0x80, v4, vm0, $0xb8;
	[tilespmem:$0x18800] =	vst v63  }
0x11c: {  	_ = 	snop  }
0x11d: {  	[tilespmem:s26], [sflag:$0x1] =	stream.indirect_vreg.gather [hbm4b:s12+s4], $0x80, v4, vm0, $0xb8;
	[tilespmem:$0x18800] =	vst v63  }
0x11e: {  	_ = 	snop  }
0x11f: {  	[tilespmem:s21], [sflag:$0x1] =	stream.indirect_vreg.gather [hbm4b:s22+s4], $0x80, v3, vm0, $0xb8;
	[tilespmem:$0x18800] =	vst v63  }
0x120: {  	_ = 	snop  }
0x121: {  	[tilespmem:s29], [sflag:$0x1] =	stream.indirect_vreg.gather [hbm4b:s28+s4], $0x80, v3, vm0, $0xb8;
	[tilespmem:$0x18800] =	vst v63  }
0x122: {  	_ = 	snop  }
0x123: {  	[tilespmem:s23], [sflag:$0x1] =	stream.indirect_vreg.gather [hbm4b:s7+s4], $0x80, v3, vm0, $0xb8;
	[tilespmem:$0x18800] =	vst v63  }
0x124: {  	_ = 	snop  }
0x125: {  	[tilespmem:s31], [sflag:$0x1] =	stream.indirect_vreg.gather [hbm4b:s8+s4], $0x80, v3, vm0, $0xb8;
	[tilespmem:$0x18800] =	vst v63  }
0x126: {  	_ = 	snop  }
0x127: {  	[tilespmem:s25], [sflag:$0x1] =	stream.indirect_vreg.gather [hbm4b:s9+s4], $0x80, v3, vm0, $0xb8;
	[tilespmem:$0x18800] =	vst v63  }
0x128: {  	_ = 	snop  }
0x129: {  	[tilespmem:s6], [sflag:$0x1] =	stream.indirect_vreg.gather [hbm4b:s10+s4], $0x80, v3, vm0, $0xb8;
	[tilespmem:$0x18800] =	vst v63  }
0x12a: {  	s24 =	simm.s32 $0xF800  }
0x12b: {  	[tilespmem:s24], [sflag:$0x1] =	stream.indirect_vreg.gather [hbm4b:s11+s4], $0x80, v3, vm0, $0xb8;
	[tilespmem:$0x18800] =	vst v63  }
0x12c: {  	_ = 	snop  }
0x12d: {  	[tilespmem:s3], [sflag:$0x1] =	stream.indirect_vreg.gather [hbm4b:s12+s4], $0x80, v3, vm0, $0xb8;
	[tilespmem:$0x18800] =	vst v63  }
0x12e: {  	_ =	swait.ge [sflag:s30], $0x8000  }
0x12f: {  	[sflag:s30] =	ssyncset.done $0x0  }
0x130: {  	[sflag:s30] =	ssyncadd.s32 $0xFFFF8000  }
0x131: {  	v3 =	vld [tilespmem:$0x100];
	_ =	sdelay $0x4  }
0x132: {  	v55 =	vshll.u32 v3, $0x4  }
0x133: {  	v3 =	vand.u32 $0x7, v3;
	v4 =	vand.u32 $0xFFFFFF80, v55  }
0x134: {  	v3 =	vor.u32 v3, v4  }
0x135: {  	v4 =	vperm.xlane v3, v0;
	_ =	sdelay $0x1  }
0x136: {  	v4 =	vadd.s32 v1, v4;
	_ =	sdelay $0x3  }
0x137: {  	s6 =	simm.s32 $0x10800;
	s25 =	rddreg [dreg:$0x2]  }
0x138: {  	[hbm4b:s25+s4] =	stream.indirect_vreg.scatter [tilespmem:s6], [sflag:$0x2], $0x80, v4, vm0, $0xb8;
	[tilespmem:$0x18800] =	vst v63  }
0x139: {  	s5 =	simm.s32 $0x11000  }
0x13a: {  	[hbm4b:s13+s4] =	stream.indirect_vreg.scatter [tilespmem:s5], [sflag:$0x2], $0x80, v4, vm0, $0xb8;
	[tilespmem:$0x18800] =	vst v63  }
0x13b: {  	s20 =	simm.s32 $0x11800  }
0x13c: {  	[hbm4b:s14+s4] =	stream.indirect_vreg.scatter [tilespmem:s20], [sflag:$0x2], $0x80, v4, vm0, $0xb8;
	[tilespmem:$0x18800] =	vst v63  }
0x13d: {  	s21 =	simm.s32 $0x12000  }
0x13e: {  	[hbm4b:s15+s4] =	stream.indirect_vreg.scatter [tilespmem:s21], [sflag:$0x2], $0x80, v4, vm0, $0xb8;
	[tilespmem:$0x18800] =	vst v63  }
0x13f: {  	s23 =	simm.s32 $0x12800  }
0x140: {  	[hbm4b:s16+s4] =	stream.indirect_vreg.scatter [tilespmem:s23], [sflag:$0x2], $0x80, v4, vm0, $0xb8;
	[tilespmem:$0x18800] =	vst v63  }
0x141: {  	s3 =	simm.s32 $0x13000;
	v3 =	vperm.xlane v3, v2  }
0x142: {  	[hbm4b:s17+s4] =	stream.indirect_vreg.scatter [tilespmem:s3], [sflag:$0x2], $0x80, v4, vm0, $0xb8;
	[tilespmem:$0x18800] =	vst v63  }
0x143: {  	s31 =	simm.s32 $0x13800;
	v3 =	vadd.s32 v1, v3  }
0x144: {  	[hbm4b:s18+s4] =	stream.indirect_vreg.scatter [tilespmem:s31], [sflag:$0x2], $0x80, v4, vm0, $0xb8;
	[tilespmem:$0x18800] =	vst v63  }
0x145: {  	s26 =	simm.s32 $0x14000  }
0x146: {  	[hbm4b:s19+s4] =	stream.indirect_vreg.scatter [tilespmem:s26], [sflag:$0x2], $0x80, v4, vm0, $0xb8;
	[tilespmem:$0x18800] =	vst v63  }
0x147: {  	s2 =	simm.s32 $0x14800;
	s29 =	rddreg [dreg:$0x2]  }
0x148: {  	[hbm4b:s29+s4] =	stream.indirect_vreg.scatter [tilespmem:s2], [sflag:$0x2], $0x80, v3, vm0, $0xb8;
	[tilespmem:$0x18800] =	vst v63  }
0x149: {  	s24 =	simm.s32 $0x15000  }
0x14a: {  	[hbm4b:s13+s4] =	stream.indirect_vreg.scatter [tilespmem:s24], [sflag:$0x2], $0x80, v3, vm0, $0xb8;
	[tilespmem:$0x18800] =	vst v63  }
0x14b: {  	s25 =	simm.s32 $0x15800  }
0x14c: {  	[hbm4b:s14+s4] =	stream.indirect_vreg.scatter [tilespmem:s25], [sflag:$0x2], $0x80, v3, vm0, $0xb8;
	[tilespmem:$0x18800] =	vst v63  }
0x14d: {  	s26 =	simm.s32 $0x16000  }
0x14e: {  	[hbm4b:s15+s4] =	stream.indirect_vreg.scatter [tilespmem:s26], [sflag:$0x2], $0x80, v3, vm0, $0xb8;
	[tilespmem:$0x18800] =	vst v63  }
0x14f: {  	s22 =	simm.s32 $0x16800  }
0x150: {  	[hbm4b:s16+s4] =	stream.indirect_vreg.scatter [tilespmem:s22], [sflag:$0x2], $0x80, v3, vm0, $0xb8;
	[tilespmem:$0x18800] =	vst v63  }
0x151: {  	s29 =	simm.s32 $0x17000  }
0x152: {  	[hbm4b:s17+s4] =	stream.indirect_vreg.scatter [tilespmem:s29], [sflag:$0x2], $0x80, v3, vm0, $0xb8;
	[tilespmem:$0x18800] =	vst v63  }
0x153: {  	s1 =	simm.s32 $0x17800  }
0x154: {  	[hbm4b:s18+s4] =	stream.indirect_vreg.scatter [tilespmem:s1], [sflag:$0x2], $0x80, v3, vm0, $0xb8;
	[tilespmem:$0x18800] =	vst v63  }
0x155: {  	s1 =	simm.s32 $0x18000  }
0x156: {  	[hbm4b:s19+s4] =	stream.indirect_vreg.scatter [tilespmem:s1], [sflag:$0x2], $0x80, v3, vm0, $0xb8;
	[tilespmem:$0x18800] =	vst v63  }
0x157: {  	_ =	swait.ge [sflag:s0], $0x8000  }
0x158: {  	[sflag:s0] =	ssyncset.done $0x0  }
0x159: {  	[sflag:s0] =	ssyncadd.s32 $0xFFFF8000  }
0x15a: {  	v3 =	vld [tilespmem:$0x680];
	_ =	sdelay $0x4  }
0x15b: {  	v56 =	vshll.u32 v3, $0x4  }
0x15c: {  	v3 =	vand.u32 $0x7, v3;
	v4 =	vand.u32 $0xFFFFFF80, v56  }
0x15d: {  	v3 =	vor.u32 v3, v4  }
0x15e: {  	v4 =	vperm.xlane v3, v0;
	_ =	sdelay $0x1  }
0x15f: {  	v4 =	vadd.s32 v1, v4;
	_ =	sdelay $0x3  }
0x160: {  	s1 =	rddreg [dreg:$0x0]  }
0x161: {  	[tilespmem:s6], [sflag:$0x1] =	stream.indirect_vreg.gather [hbm4b:s1+s4], $0x80, v4, vm0, $0xb8;
	[tilespmem:$0x18800] =	vst v63  }
0x162: {  	_ = 	snop  }
0x163: {  	[tilespmem:s5], [sflag:$0x1] =	stream.indirect_vreg.gather [hbm4b:s28+s4], $0x80, v4, vm0, $0xb8;
	[tilespmem:$0x18800] =	vst v63  }
0x164: {  	_ = 	snop  }
0x165: {  	[tilespmem:s20], [sflag:$0x1] =	stream.indirect_vreg.gather [hbm4b:s7+s4], $0x80, v4, vm0, $0xb8;
	[tilespmem:$0x18800] =	vst v63  }
0x166: {  	_ = 	snop  }
0x167: {  	[tilespmem:s21], [sflag:$0x1] =	stream.indirect_vreg.gather [hbm4b:s8+s4], $0x80, v4, vm0, $0xb8;
	[tilespmem:$0x18800] =	vst v63  }
0x168: {  	_ = 	snop  }
0x169: {  	[tilespmem:s23], [sflag:$0x1] =	stream.indirect_vreg.gather [hbm4b:s9+s4], $0x80, v4, vm0, $0xb8;
	[tilespmem:$0x18800] =	vst v63  }
0x16a: {  	v3 =	vperm.xlane v3, v2  }
0x16b: {  	[tilespmem:s3], [sflag:$0x1] =	stream.indirect_vreg.gather [hbm4b:s10+s4], $0x80, v4, vm0, $0xb8;
	[tilespmem:$0x18800] =	vst v63  }
0x16c: {  	v3 =	vadd.s32 v1, v3  }
0x16d: {  	[tilespmem:s31], [sflag:$0x1] =	stream.indirect_vreg.gather [hbm4b:s11+s4], $0x80, v4, vm0, $0xb8;
	[tilespmem:$0x18800] =	vst v63  }
0x16e: {  	s21 =	simm.s32 $0x14000  }
0x16f: {  	[tilespmem:s21], [sflag:$0x1] =	stream.indirect_vreg.gather [hbm4b:s12+s4], $0x80, v4, vm0, $0xb8;
	[tilespmem:$0x18800] =	vst v63  }
0x170: {  	s6 =	rddreg [dreg:$0x0]  }
0x171: {  	[tilespmem:s2], [sflag:$0x1] =	stream.indirect_vreg.gather [hbm4b:s6+s4], $0x80, v3, vm0, $0xb8;
	[tilespmem:$0x18800] =	vst v63  }
0x172: {  	_ = 	snop  }
0x173: {  	[tilespmem:s24], [sflag:$0x1] =	stream.indirect_vreg.gather [hbm4b:s28+s4], $0x80, v3, vm0, $0xb8;
	[tilespmem:$0x18800] =	vst v63  }
0x174: {  	_ = 	snop  }
0x175: {  	[tilespmem:s25], [sflag:$0x1] =	stream.indirect_vreg.gather [hbm4b:s7+s4], $0x80, v3, vm0, $0xb8;
	[tilespmem:$0x18800] =	vst v63  }
0x176: {  	_ = 	snop  }
0x177: {  	[tilespmem:s26], [sflag:$0x1] =	stream.indirect_vreg.gather [hbm4b:s8+s4], $0x80, v3, vm0, $0xb8;
	[tilespmem:$0x18800] =	vst v63  }
0x178: {  	_ = 	snop  }
0x179: {  	[tilespmem:s22], [sflag:$0x1] =	stream.indirect_vreg.gather [hbm4b:s9+s4], $0x80, v3, vm0, $0xb8;
	[tilespmem:$0x18800] =	vst v63  }
0x17a: {  	_ = 	snop  }
0x17b: {  	[tilespmem:s29], [sflag:$0x1] =	stream.indirect_vreg.gather [hbm4b:s10+s4], $0x80, v3, vm0, $0xb8;
	[tilespmem:$0x18800] =	vst v63  }
0x17c: {  	s22 =	simm.s32 $0x17800  }
0x17d: {  	[tilespmem:s22], [sflag:$0x1] =	stream.indirect_vreg.gather [hbm4b:s11+s4], $0x80, v3, vm0, $0xb8;
	[tilespmem:$0x18800] =	vst v63  }
0x17e: {  	s23 =	simm.s32 $0x18000  }
0x17f: {  	[tilespmem:s23], [sflag:$0x1] =	stream.indirect_vreg.gather [hbm4b:s12+s4], $0x80, v3, vm0, $0xb8;
	[tilespmem:$0x18800] =	vst v63  }
0x180: {  	_ =	swait.ge [sflag:s30], $0x8000  }
0x181: {  	[sflag:s30] =	ssyncset.done $0x0  }
0x182: {  	[sflag:s30] =	ssyncadd.s32 $0xFFFF8000  }
0x183: {  	v3 =	vld [tilespmem:$0x180];
	_ =	sdelay $0x4  }
0x184: {  	v57 =	vshll.u32 v3, $0x4  }
0x185: {  	v3 =	vand.u32 $0x7, v3;
	v4 =	vand.u32 $0xFFFFFF80, v57  }
0x186: {  	v3 =	vor.u32 v3, v4  }
0x187: {  	v4 =	vperm.xlane v3, v0;
	_ =	sdelay $0x1  }
0x188: {  	v4 =	vadd.s32 v1, v4;
	_ =	sdelay $0x3  }
0x189: {  	s29 =	simm.s32 $0x800;
	s24 =	rddreg [dreg:$0x2]  }
0x18a: {  	[hbm4b:s24+s4] =	stream.indirect_vreg.scatter [tilespmem:s29], [sflag:$0x2], $0x80, v4, vm0, $0xb8;
	[tilespmem:$0x18800] =	vst v63  }
0x18b: {  	s25 =	simm.s32 $0x1000  }
0x18c: {  	[hbm4b:s13+s4] =	stream.indirect_vreg.scatter [tilespmem:s25], [sflag:$0x2], $0x80, v4, vm0, $0xb8;
	[tilespmem:$0x18800] =	vst v63  }
0x18d: {  	s5 =	simm.s32 $0x1800  }
0x18e: {  	[hbm4b:s14+s4] =	stream.indirect_vreg.scatter [tilespmem:s5], [sflag:$0x2], $0x80, v4, vm0, $0xb8;
	[tilespmem:$0x18800] =	vst v63  }
0x18f: {  	s21 =	simm.s32 $0x2000  }
0x190: {  	[hbm4b:s15+s4] =	stream.indirect_vreg.scatter [tilespmem:s21], [sflag:$0x2], $0x80, v4, vm0, $0xb8;
	[tilespmem:$0x18800] =	vst v63  }
0x191: {  	s20 =	simm.s32 $0x2800  }
0x192: {  	[hbm4b:s16+s4] =	stream.indirect_vreg.scatter [tilespmem:s20], [sflag:$0x2], $0x80, v4, vm0, $0xb8;
	[tilespmem:$0x18800] =	vst v63  }
0x193: {  	s26 =	simm.s32 $0x3000;
	v3 =	vperm.xlane v3, v2  }
0x194: {  	[hbm4b:s17+s4] =	stream.indirect_vreg.scatter [tilespmem:s26], [sflag:$0x2], $0x80, v4, vm0, $0xb8;
	[tilespmem:$0x18800] =	vst v63  }
0x195: {  	s23 =	simm.s32 $0x3800;
	v3 =	vadd.s32 v1, v3  }
0x196: {  	[hbm4b:s18+s4] =	stream.indirect_vreg.scatter [tilespmem:s23], [sflag:$0x2], $0x80, v4, vm0, $0xb8;
	[tilespmem:$0x18800] =	vst v63  }
0x197: {  	s25 =	simm.s32 $0x4000  }
0x198: {  	[hbm4b:s19+s4] =	stream.indirect_vreg.scatter [tilespmem:s25], [sflag:$0x2], $0x80, v4, vm0, $0xb8;
	[tilespmem:$0x18800] =	vst v63  }
0x199: {  	s22 =	simm.s32 $0x4800  }
0x19a: {  	[hbm4b:s24+s4] =	stream.indirect_vreg.scatter [tilespmem:s22], [sflag:$0x2], $0x80, v3, vm0, $0xb8;
	[tilespmem:$0x18800] =	vst v63  }
0x19b: {  	s31 =	simm.s32 $0x5000  }
0x19c: {  	[hbm4b:s13+s4] =	stream.indirect_vreg.scatter [tilespmem:s31], [sflag:$0x2], $0x80, v3, vm0, $0xb8;
	[tilespmem:$0x18800] =	vst v63  }
0x19d: {  	s24 =	simm.s32 $0x5800  }
0x19e: {  	[hbm4b:s14+s4] =	stream.indirect_vreg.scatter [tilespmem:s24], [sflag:$0x2], $0x80, v3, vm0, $0xb8;
	[tilespmem:$0x18800] =	vst v63  }
0x19f: {  	s26 =	simm.s32 $0x6000  }
0x1a0: {  	[hbm4b:s15+s4] =	stream.indirect_vreg.scatter [tilespmem:s26], [sflag:$0x2], $0x80, v3, vm0, $0xb8;
	[tilespmem:$0x18800] =	vst v63  }
0x1a1: {  	s2 =	simm.s32 $0x6800  }
0x1a2: {  	[hbm4b:s16+s4] =	stream.indirect_vreg.scatter [tilespmem:s2], [sflag:$0x2], $0x80, v3, vm0, $0xb8;
	[tilespmem:$0x18800] =	vst v63  }
0x1a3: {  	s3 =	simm.s32 $0x7000  }
0x1a4: {  	[hbm4b:s17+s4] =	stream.indirect_vreg.scatter [tilespmem:s3], [sflag:$0x2], $0x80, v3, vm0, $0xb8;
	[tilespmem:$0x18800] =	vst v63  }
0x1a5: {  	s1 =	simm.s32 $0x7800  }
0x1a6: {  	[hbm4b:s18+s4] =	stream.indirect_vreg.scatter [tilespmem:s1], [sflag:$0x2], $0x80, v3, vm0, $0xb8;
	[tilespmem:$0x18800] =	vst v63  }
0x1a7: {  	s1 =	simm.s32 $0x8000  }
0x1a8: {  	[hbm4b:s19+s4] =	stream.indirect_vreg.scatter [tilespmem:s1], [sflag:$0x2], $0x80, v3, vm0, $0xb8;
	[tilespmem:$0x18800] =	vst v63  }
0x1a9: {  	_ =	swait.ge [sflag:s0], $0x8000  }
0x1aa: {  	[sflag:s0] =	ssyncset.done $0x0  }
0x1ab: {  	[sflag:s0] =	ssyncadd.s32 $0xFFFF8000  }
0x1ac: {  	v3 =	vld [tilespmem:$0x700];
	_ =	sdelay $0x4  }
0x1ad: {  	v58 =	vshll.u32 v3, $0x4  }
0x1ae: {  	v3 =	vand.u32 $0x7, v3;
	v4 =	vand.u32 $0xFFFFFF80, v58  }
0x1af: {  	v3 =	vor.u32 v3, v4  }
0x1b0: {  	v4 =	vperm.xlane v3, v0;
	_ =	sdelay $0x1  }
0x1b1: {  	v4 =	vadd.s32 v1, v4;
	_ =	sdelay $0x4  }
0x1b2: {  	[tilespmem:s29], [sflag:$0x1] =	stream.indirect_vreg.gather [hbm4b:s6+s4], $0x80, v4, vm0, $0xb8;
	[tilespmem:$0x18800] =	vst v63  }
0x1b3: {  	s29 =	simm.s32 $0x1000  }
0x1b4: {  	[tilespmem:s29], [sflag:$0x1] =	stream.indirect_vreg.gather [hbm4b:s28+s4], $0x80, v4, vm0, $0xb8;
	[tilespmem:$0x18800] =	vst v63  }
0x1b5: {  	_ = 	snop  }
0x1b6: {  	[tilespmem:s5], [sflag:$0x1] =	stream.indirect_vreg.gather [hbm4b:s7+s4], $0x80, v4, vm0, $0xb8;
	[tilespmem:$0x18800] =	vst v63  }
0x1b7: {  	_ = 	snop  }
0x1b8: {  	[tilespmem:s21], [sflag:$0x1] =	stream.indirect_vreg.gather [hbm4b:s8+s4], $0x80, v4, vm0, $0xb8;
	[tilespmem:$0x18800] =	vst v63  }
0x1b9: {  	_ = 	snop  }
0x1ba: {  	[tilespmem:s20], [sflag:$0x1] =	stream.indirect_vreg.gather [hbm4b:s9+s4], $0x80, v4, vm0, $0xb8;
	[tilespmem:$0x18800] =	vst v63  }
0x1bb: {  	v3 =	vperm.xlane v3, v2;
	s21 =	simm.s32 $0x3000  }
0x1bc: {  	[tilespmem:s21], [sflag:$0x1] =	stream.indirect_vreg.gather [hbm4b:s10+s4], $0x80, v4, vm0, $0xb8;
	[tilespmem:$0x18800] =	vst v63  }
0x1bd: {  	v3 =	vadd.s32 v1, v3  }
0x1be: {  	[tilespmem:s23], [sflag:$0x1] =	stream.indirect_vreg.gather [hbm4b:s11+s4], $0x80, v4, vm0, $0xb8;
	[tilespmem:$0x18800] =	vst v63  }
0x1bf: {  	_ = 	snop  }
0x1c0: {  	[tilespmem:s25], [sflag:$0x1] =	stream.indirect_vreg.gather [hbm4b:s12+s4], $0x80, v4, vm0, $0xb8;
	[tilespmem:$0x18800] =	vst v63  }
0x1c1: {  	_ = 	snop  }
0x1c2: {  	[tilespmem:s22], [sflag:$0x1] =	stream.indirect_vreg.gather [hbm4b:s6+s4], $0x80, v3, vm0, $0xb8;
	[tilespmem:$0x18800] =	vst v63  }
0x1c3: {  	_ = 	snop  }
0x1c4: {  	[tilespmem:s31], [sflag:$0x1] =	stream.indirect_vreg.gather [hbm4b:s28+s4], $0x80, v3, vm0, $0xb8;
	[tilespmem:$0x18800] =	vst v63  }
0x1c5: {  	_ = 	snop  }
0x1c6: {  	[tilespmem:s24], [sflag:$0x1] =	stream.indirect_vreg.gather [hbm4b:s7+s4], $0x80, v3, vm0, $0xb8;
	[tilespmem:$0x18800] =	vst v63  }
0x1c7: {  	_ = 	snop  }
0x1c8: {  	[tilespmem:s26], [sflag:$0x1] =	stream.indirect_vreg.gather [hbm4b:s8+s4], $0x80, v3, vm0, $0xb8;
	[tilespmem:$0x18800] =	vst v63  }
0x1c9: {  	_ = 	snop  }
0x1ca: {  	[tilespmem:s2], [sflag:$0x1] =	stream.indirect_vreg.gather [hbm4b:s9+s4], $0x80, v3, vm0, $0xb8;
	[tilespmem:$0x18800] =	vst v63  }
0x1cb: {  	_ = 	snop  }
0x1cc: {  	[tilespmem:s3], [sflag:$0x1] =	stream.indirect_vreg.gather [hbm4b:s10+s4], $0x80, v3, vm0, $0xb8;
	[tilespmem:$0x18800] =	vst v63  }
0x1cd: {  	s25 =	simm.s32 $0x7800  }
0x1ce: {  	[tilespmem:s25], [sflag:$0x1] =	stream.indirect_vreg.gather [hbm4b:s11+s4], $0x80, v3, vm0, $0xb8;
	[tilespmem:$0x18800] =	vst v63  }
0x1cf: {  	s26 =	simm.s32 $0x8000  }
0x1d0: {  	[tilespmem:s26], [sflag:$0x1] =	stream.indirect_vreg.gather [hbm4b:s12+s4], $0x80, v3, vm0, $0xb8;
	[tilespmem:$0x18800] =	vst v63  }
0x1d1: {  	_ =	swait.ge [sflag:s30], $0x8000  }
0x1d2: {  	[sflag:s30] =	ssyncset.done $0x0  }
0x1d3: {  	[sflag:s30] =	ssyncadd.s32 $0xFFFF8000  }
0x1d4: {  	v3 =	vld [tilespmem:$0x200];
	_ =	sdelay $0x4  }
0x1d5: {  	v59 =	vshll.u32 v3, $0x4  }
0x1d6: {  	v3 =	vand.u32 $0x7, v3;
	v4 =	vand.u32 $0xFFFFFF80, v59  }
0x1d7: {  	v3 =	vor.u32 v3, v4  }
0x1d8: {  	v4 =	vperm.xlane v3, v0;
	_ =	sdelay $0x1  }
0x1d9: {  	v4 =	vadd.s32 v1, v4;
	_ =	sdelay $0x3  }
0x1da: {  	s2 =	simm.s32 $0x8800;
	s29 =	rddreg [dreg:$0x2]  }
0x1db: {  	[hbm4b:s29+s4] =	stream.indirect_vreg.scatter [tilespmem:s2], [sflag:$0x2], $0x80, v4, vm0, $0xb8;
	[tilespmem:$0x18800] =	vst v63  }
0x1dc: {  	s31 =	simm.s32 $0x9000  }
0x1dd: {  	[hbm4b:s13+s4] =	stream.indirect_vreg.scatter [tilespmem:s31], [sflag:$0x2], $0x80, v4, vm0, $0xb8;
	[tilespmem:$0x18800] =	vst v63  }
0x1de: {  	s3 =	simm.s32 $0x9800  }
0x1df: {  	[hbm4b:s14+s4] =	stream.indirect_vreg.scatter [tilespmem:s3], [sflag:$0x2], $0x80, v4, vm0, $0xb8;
	[tilespmem:$0x18800] =	vst v63  }
0x1e0: {  	s20 =	simm.s32 $0xA000  }
0x1e1: {  	[hbm4b:s15+s4] =	stream.indirect_vreg.scatter [tilespmem:s20], [sflag:$0x2], $0x80, v4, vm0, $0xb8;
	[tilespmem:$0x18800] =	vst v63  }
0x1e2: {  	s6 =	simm.s32 $0xA800  }
0x1e3: {  	[hbm4b:s16+s4] =	stream.indirect_vreg.scatter [tilespmem:s6], [sflag:$0x2], $0x80, v4, vm0, $0xb8;
	[tilespmem:$0x18800] =	vst v63  }
0x1e4: {  	s5 =	simm.s32 $0xB000;
	v3 =	vperm.xlane v3, v2  }
0x1e5: {  	[hbm4b:s17+s4] =	stream.indirect_vreg.scatter [tilespmem:s5], [sflag:$0x2], $0x80, v4, vm0, $0xb8;
	[tilespmem:$0x18800] =	vst v63  }
0x1e6: {  	s24 =	simm.s32 $0xB800;
	v3 =	vadd.s32 v1, v3  }
0x1e7: {  	[hbm4b:s18+s4] =	stream.indirect_vreg.scatter [tilespmem:s24], [sflag:$0x2], $0x80, v4, vm0, $0xb8;
	[tilespmem:$0x18800] =	vst v63  }
0x1e8: {  	s21 =	simm.s32 $0xC000  }
0x1e9: {  	[hbm4b:s19+s4] =	stream.indirect_vreg.scatter [tilespmem:s21], [sflag:$0x2], $0x80, v4, vm0, $0xb8;
	[tilespmem:$0x18800] =	vst v63  }
0x1ea: {  	s26 =	simm.s32 $0xC800  }
0x1eb: {  	[hbm4b:s29+s4] =	stream.indirect_vreg.scatter [tilespmem:s26], [sflag:$0x2], $0x80, v3, vm0, $0xb8;
	[tilespmem:$0x18800] =	vst v63  }
0x1ec: {  	s23 =	simm.s32 $0xD000  }
0x1ed: {  	[hbm4b:s13+s4] =	stream.indirect_vreg.scatter [tilespmem:s23], [sflag:$0x2], $0x80, v3, vm0, $0xb8;
	[tilespmem:$0x18800] =	vst v63  }
0x1ee: {  	s29 =	simm.s32 $0xD800  }
0x1ef: {  	[hbm4b:s14+s4] =	stream.indirect_vreg.scatter [tilespmem:s29], [sflag:$0x2], $0x80, v3, vm0, $0xb8;
	[tilespmem:$0x18800] =	vst v63  }
0x1f0: {  	s25 =	simm.s32 $0xE000  }
0x1f1: {  	[hbm4b:s15+s4] =	stream.indirect_vreg.scatter [tilespmem:s25], [sflag:$0x2], $0x80, v3, vm0, $0xb8;
	[tilespmem:$0x18800] =	vst v63  }
0x1f2: {  	s31 =	simm.s32 $0xE800  }
0x1f3: {  	[hbm4b:s16+s4] =	stream.indirect_vreg.scatter [tilespmem:s31], [sflag:$0x2], $0x80, v3, vm0, $0xb8;
	[tilespmem:$0x18800] =	vst v63  }
0x1f4: {  	s22 =	simm.s32 $0xF000  }
0x1f5: {  	[hbm4b:s17+s4] =	stream.indirect_vreg.scatter [tilespmem:s22], [sflag:$0x2], $0x80, v3, vm0, $0xb8;
	[tilespmem:$0x18800] =	vst v63  }
0x1f6: {  	s1 =	simm.s32 $0xF800  }
0x1f7: {  	[hbm4b:s18+s4] =	stream.indirect_vreg.scatter [tilespmem:s1], [sflag:$0x2], $0x80, v3, vm0, $0xb8;
	[tilespmem:$0x18800] =	vst v63  }
0x1f8: {  	s1 =	simm.s32 $0x10000  }
0x1f9: {  	[hbm4b:s19+s4] =	stream.indirect_vreg.scatter [tilespmem:s1], [sflag:$0x2], $0x80, v3, vm0, $0xb8;
	[tilespmem:$0x18800] =	vst v63  }
0x1fa: {  	_ =	swait.ge [sflag:s0], $0x8000  }
0x1fb: {  	[sflag:s0] =	ssyncset.done $0x0  }
0x1fc: {  	[sflag:s0] =	ssyncadd.s32 $0xFFFF8000  }
0x1fd: {  	v3 =	vld [tilespmem:$0x780];
	_ =	sdelay $0x4  }
0x1fe: {  	v60 =	vshll.u32 v3, $0x4  }
0x1ff: {  	v3 =	vand.u32 $0x7, v3;
	v4 =	vand.u32 $0xFFFFFF80, v60  }
0x200: {  	v3 =	vor.u32 v3, v4  }
0x201: {  	v4 =	vperm.xlane v3, v0;
	_ =	sdelay $0x1  }
0x202: {  	v4 =	vadd.s32 v1, v4;
	_ =	sdelay $0x3  }
0x203: {  	s1 =	rddreg [dreg:$0x0]  }
0x204: {  	[tilespmem:s2], [sflag:$0x1] =	stream.indirect_vreg.gather [hbm4b:s1+s4], $0x80, v4, vm0, $0xb8;
	[tilespmem:$0x18800] =	vst v63  }
0x205: {  	s2 =	simm.s32 $0x9000  }
0x206: {  	[tilespmem:s2], [sflag:$0x1] =	stream.indirect_vreg.gather [hbm4b:s28+s4], $0x80, v4, vm0, $0xb8;
	[tilespmem:$0x18800] =	vst v63  }
0x207: {  	_ = 	snop  }
0x208: {  	[tilespmem:s3], [sflag:$0x1] =	stream.indirect_vreg.gather [hbm4b:s7+s4], $0x80, v4, vm0, $0xb8;
	[tilespmem:$0x18800] =	vst v63  }
0x209: {  	_ = 	snop  }
0x20a: {  	[tilespmem:s20], [sflag:$0x1] =	stream.indirect_vreg.gather [hbm4b:s8+s4], $0x80, v4, vm0, $0xb8;
	[tilespmem:$0x18800] =	vst v63  }
0x20b: {  	_ = 	snop  }
0x20c: {  	[tilespmem:s6], [sflag:$0x1] =	stream.indirect_vreg.gather [hbm4b:s9+s4], $0x80, v4, vm0, $0xb8;
	[tilespmem:$0x18800] =	vst v63  }
0x20d: {  	v3 =	vperm.xlane v3, v2  }
0x20e: {  	[tilespmem:s5], [sflag:$0x1] =	stream.indirect_vreg.gather [hbm4b:s10+s4], $0x80, v4, vm0, $0xb8;
	[tilespmem:$0x18800] =	vst v63  }
0x20f: {  	v3 =	vadd.s32 v1, v3  }
0x210: {  	[tilespmem:s24], [sflag:$0x1] =	stream.indirect_vreg.gather [hbm4b:s11+s4], $0x80, v4, vm0, $0xb8;
	[tilespmem:$0x18800] =	vst v63  }
0x211: {  	_ = 	snop  }
0x212: {  	[tilespmem:s21], [sflag:$0x1] =	stream.indirect_vreg.gather [hbm4b:s12+s4], $0x80, v4, vm0, $0xb8;
	[tilespmem:$0x18800] =	vst v63  }
0x213: {  	_ = 	snop  }
0x214: {  	[tilespmem:s26], [sflag:$0x1] =	stream.indirect_vreg.gather [hbm4b:s1+s4], $0x80, v3, vm0, $0xb8;
	[tilespmem:$0x18800] =	vst v63  }
0x215: {  	_ = 	snop  }
0x216: {  	[tilespmem:s23], [sflag:$0x1] =	stream.indirect_vreg.gather [hbm4b:s28+s4], $0x80, v3, vm0, $0xb8;
	[tilespmem:$0x18800] =	vst v63  }
0x217: {  	_ = 	snop  }
0x218: {  	[tilespmem:s29], [sflag:$0x1] =	stream.indirect_vreg.gather [hbm4b:s7+s4], $0x80, v3, vm0, $0xb8;
	[tilespmem:$0x18800] =	vst v63  }
0x219: {  	_ = 	snop  }
0x21a: {  	[tilespmem:s25], [sflag:$0x1] =	stream.indirect_vreg.gather [hbm4b:s8+s4], $0x80, v3, vm0, $0xb8;
	[tilespmem:$0x18800] =	vst v63  }
0x21b: {  	_ = 	snop  }
0x21c: {  	[tilespmem:s31], [sflag:$0x1] =	stream.indirect_vreg.gather [hbm4b:s9+s4], $0x80, v3, vm0, $0xb8;
	[tilespmem:$0x18800] =	vst v63  }
0x21d: {  	_ = 	snop  }
0x21e: {  	[tilespmem:s22], [sflag:$0x1] =	stream.indirect_vreg.gather [hbm4b:s10+s4], $0x80, v3, vm0, $0xb8;
	[tilespmem:$0x18800] =	vst v63  }
0x21f: {  	s2 =	simm.s32 $0xF800  }
0x220: {  	[tilespmem:s2], [sflag:$0x1] =	stream.indirect_vreg.gather [hbm4b:s11+s4], $0x80, v3, vm0, $0xb8;
	[tilespmem:$0x18800] =	vst v63  }
0x221: {  	s2 =	simm.s32 $0x10000  }
0x222: {  	[tilespmem:s2], [sflag:$0x1] =	stream.indirect_vreg.gather [hbm4b:s12+s4], $0x80, v3, vm0, $0xb8;
	[tilespmem:$0x18800] =	vst v63  }
0x223: {  	_ =	swait.ge [sflag:s30], $0x8000  }
0x224: {  	[sflag:s30] =	ssyncset.done $0x0  }
0x225: {  	[sflag:s30] =	ssyncadd.s32 $0xFFFF8000  }
0x226: {  	v3 =	vld [tilespmem:$0x280];
	_ =	sdelay $0x4  }
0x227: {  	v61 =	vshll.u32 v3, $0x4  }
0x228: {  	v3 =	vand.u32 $0x7, v3;
	v4 =	vand.u32 $0xFFFFFF80, v61  }
0x229: {  	v3 =	vor.u32 v3, v4  }
0x22a: {  	v4 =	vperm.xlane v3, v0;
	_ =	sdelay $0x1  }
0x22b: {  	v4 =	vadd.s32 v1, v4;
	_ =	sdelay $0x3  }
0x22c: {  	s2 =	simm.s32 $0x10800;
	s1 =	rddreg [dreg:$0x2]  }
0x22d: {  	[hbm4b:s1+s4] =	stream.indirect_vreg.scatter [tilespmem:s2], [sflag:$0x2], $0x80, v4, vm0, $0xb8;
	[tilespmem:$0x18800] =	vst v63  }
0x22e: {  	s2 =	simm.s32 $0x11000  }
0x22f: {  	[hbm4b:s13+s4] =	stream.indirect_vreg.scatter [tilespmem:s2], [sflag:$0x2], $0x80, v4, vm0, $0xb8;
	[tilespmem:$0x18800] =	vst v63  }
0x230: {  	s2 =	simm.s32 $0x11800  }
0x231: {  	[hbm4b:s14+s4] =	stream.indirect_vreg.scatter [tilespmem:s2], [sflag:$0x2], $0x80, v4, vm0, $0xb8;
	[tilespmem:$0x18800] =	vst v63  }
0x232: {  	s2 =	simm.s32 $0x12000  }
0x233: {  	[hbm4b:s15+s4] =	stream.indirect_vreg.scatter [tilespmem:s2], [sflag:$0x2], $0x80, v4, vm0, $0xb8;
	[tilespmem:$0x18800] =	vst v63  }
0x234: {  	s2 =	simm.s32 $0x12800  }
0x235: {  	[hbm4b:s16+s4] =	stream.indirect_vreg.scatter [tilespmem:s2], [sflag:$0x2], $0x80, v4, vm0, $0xb8;
	[tilespmem:$0x18800] =	vst v63  }
0x236: {  	v3 =	vperm.xlane v3, v2;
	s2 =	simm.s32 $0x13000  }
0x237: {  	[hbm4b:s17+s4] =	stream.indirect_vreg.scatter [tilespmem:s2], [sflag:$0x2], $0x80, v4, vm0, $0xb8;
	[tilespmem:$0x18800] =	vst v63  }
0x238: {  	v3 =	vadd.s32 v1, v3;
	s2 =	simm.s32 $0x13800  }
0x239: {  	[hbm4b:s18+s4] =	stream.indirect_vreg.scatter [tilespmem:s2], [sflag:$0x2], $0x80, v4, vm0, $0xb8;
	[tilespmem:$0x18800] =	vst v63  }
0x23a: {  	s2 =	simm.s32 $0x14000  }
0x23b: {  	[hbm4b:s19+s4] =	stream.indirect_vreg.scatter [tilespmem:s2], [sflag:$0x2], $0x80, v4, vm0, $0xb8;
	[tilespmem:$0x18800] =	vst v63  }
0x23c: {  	s2 =	simm.s32 $0x14800  }
0x23d: {  	[hbm4b:s1+s4] =	stream.indirect_vreg.scatter [tilespmem:s2], [sflag:$0x2], $0x80, v3, vm0, $0xb8;
	[tilespmem:$0x18800] =	vst v63  }
0x23e: {  	s2 =	smov.u32 s1;
	s1 =	simm.s32 $0x15000  }
0x23f: {  	[hbm4b:s13+s4] =	stream.indirect_vreg.scatter [tilespmem:s1], [sflag:$0x2], $0x80, v3, vm0, $0xb8;
	[tilespmem:$0x18800] =	vst v63  }
0x240: {  	s1 =	simm.s32 $0x15800  }
0x241: {  	[hbm4b:s14+s4] =	stream.indirect_vreg.scatter [tilespmem:s1], [sflag:$0x2], $0x80, v3, vm0, $0xb8;
	[tilespmem:$0x18800] =	vst v63  }
0x242: {  	s1 =	simm.s32 $0x16000  }
0x243: {  	[hbm4b:s15+s4] =	stream.indirect_vreg.scatter [tilespmem:s1], [sflag:$0x2], $0x80, v3, vm0, $0xb8;
	[tilespmem:$0x18800] =	vst v63  }
0x244: {  	s1 =	simm.s32 $0x16800  }
0x245: {  	[hbm4b:s16+s4] =	stream.indirect_vreg.scatter [tilespmem:s1], [sflag:$0x2], $0x80, v3, vm0, $0xb8;
	[tilespmem:$0x18800] =	vst v63  }
0x246: {  	s1 =	simm.s32 $0x17000  }
0x247: {  	[hbm4b:s17+s4] =	stream.indirect_vreg.scatter [tilespmem:s1], [sflag:$0x2], $0x80, v3, vm0, $0xb8;
	[tilespmem:$0x18800] =	vst v63  }
0x248: {  	s1 =	simm.s32 $0x17800  }
0x249: {  	[hbm4b:s18+s4] =	stream.indirect_vreg.scatter [tilespmem:s1], [sflag:$0x2], $0x80, v3, vm0, $0xb8;
	[tilespmem:$0x18800] =	vst v63  }
0x24a: {  	s1 =	simm.s32 $0x18000  }
0x24b: {  	[hbm4b:s19+s4] =	stream.indirect_vreg.scatter [tilespmem:s1], [sflag:$0x2], $0x80, v3, vm0, $0xb8;
	[tilespmem:$0x18800] =	vst v63  }
0x24c: {  	_ =	swait.ge [sflag:s30], $0x8000  }
0x24d: {  	[sflag:s30] =	ssyncset.done $0x0  }
0x24e: {  	[sflag:s30] =	ssyncadd.s32 $0xFFFF8000  }
0x24f: {  	v3 =	vld [tilespmem:$0x300];
	_ =	sdelay $0x4  }
0x250: {  	v62 =	vshll.u32 v3, $0x4  }
0x251: {  	v3 =	vand.u32 $0x7, v3;
	v4 =	vand.u32 $0xFFFFFF80, v62  }
0x252: {  	v3 =	vor.u32 v3, v4  }
0x253: {  	v4 =	vperm.xlane v3, v0;
	_ =	sdelay $0x1  }
0x254: {  	v4 =	vadd.s32 v1, v4;
	_ =	sdelay $0x3  }
0x255: {  	s1 =	simm.s32 $0x800  }
0x256: {  	[hbm4b:s2+s4] =	stream.indirect_vreg.scatter [tilespmem:s1], [sflag:$0x2], $0x80, v4, vm0, $0xb8;
	[tilespmem:$0x18800] =	vst v63  }
0x257: {  	s1 =	simm.s32 $0x1000  }
0x258: {  	[hbm4b:s13+s4] =	stream.indirect_vreg.scatter [tilespmem:s1], [sflag:$0x2], $0x80, v4, vm0, $0xb8;
	[tilespmem:$0x18800] =	vst v63  }
0x259: {  	s1 =	simm.s32 $0x1800  }
0x25a: {  	[hbm4b:s14+s4] =	stream.indirect_vreg.scatter [tilespmem:s1], [sflag:$0x2], $0x80, v4, vm0, $0xb8;
	[tilespmem:$0x18800] =	vst v63  }
0x25b: {  	s1 =	simm.s32 $0x2000  }
0x25c: {  	[hbm4b:s15+s4] =	stream.indirect_vreg.scatter [tilespmem:s1], [sflag:$0x2], $0x80, v4, vm0, $0xb8;
	[tilespmem:$0x18800] =	vst v63  }
0x25d: {  	s1 =	simm.s32 $0x2800  }
0x25e: {  	[hbm4b:s16+s4] =	stream.indirect_vreg.scatter [tilespmem:s1], [sflag:$0x2], $0x80, v4, vm0, $0xb8;
	[tilespmem:$0x18800] =	vst v63  }
0x25f: {  	v3 =	vperm.xlane v3, v2;
	s1 =	simm.s32 $0x3000  }
0x260: {  	[hbm4b:s17+s4] =	stream.indirect_vreg.scatter [tilespmem:s1], [sflag:$0x2], $0x80, v4, vm0, $0xb8;
	[tilespmem:$0x18800] =	vst v63  }
0x261: {  	v3 =	vadd.s32 v1, v3;
	s1 =	simm.s32 $0x3800  }
0x262: {  	[hbm4b:s18+s4] =	stream.indirect_vreg.scatter [tilespmem:s1], [sflag:$0x2], $0x80, v4, vm0, $0xb8;
	[tilespmem:$0x18800] =	vst v63  }
0x263: {  	s1 =	simm.s32 $0x4000  }
0x264: {  	[hbm4b:s19+s4] =	stream.indirect_vreg.scatter [tilespmem:s1], [sflag:$0x2], $0x80, v4, vm0, $0xb8;
	[tilespmem:$0x18800] =	vst v63  }
0x265: {  	s1 =	simm.s32 $0x4800  }
0x266: {  	[hbm4b:s2+s4] =	stream.indirect_vreg.scatter [tilespmem:s1], [sflag:$0x2], $0x80, v3, vm0, $0xb8;
	[tilespmem:$0x18800] =	vst v63  }
0x267: {  	s1 =	simm.s32 $0x5000  }
0x268: {  	[hbm4b:s13+s4] =	stream.indirect_vreg.scatter [tilespmem:s1], [sflag:$0x2], $0x80, v3, vm0, $0xb8;
	[tilespmem:$0x18800] =	vst v63  }
0x269: {  	s1 =	simm.s32 $0x5800  }
0x26a: {  	[hbm4b:s14+s4] =	stream.indirect_vreg.scatter [tilespmem:s1], [sflag:$0x2], $0x80, v3, vm0, $0xb8;
	[tilespmem:$0x18800] =	vst v63  }
0x26b: {  	s1 =	simm.s32 $0x6000  }
0x26c: {  	[hbm4b:s15+s4] =	stream.indirect_vreg.scatter [tilespmem:s1], [sflag:$0x2], $0x80, v3, vm0, $0xb8;
	[tilespmem:$0x18800] =	vst v63  }
0x26d: {  	s1 =	simm.s32 $0x6800  }
0x26e: {  	[hbm4b:s16+s4] =	stream.indirect_vreg.scatter [tilespmem:s1], [sflag:$0x2], $0x80, v3, vm0, $0xb8;
	[tilespmem:$0x18800] =	vst v63  }
0x26f: {  	s1 =	simm.s32 $0x7000  }
0x270: {  	[hbm4b:s17+s4] =	stream.indirect_vreg.scatter [tilespmem:s1], [sflag:$0x2], $0x80, v3, vm0, $0xb8;
	[tilespmem:$0x18800] =	vst v63  }
0x271: {  	s1 =	simm.s32 $0x7800  }
0x272: {  	[hbm4b:s18+s4] =	stream.indirect_vreg.scatter [tilespmem:s1], [sflag:$0x2], $0x80, v3, vm0, $0xb8;
	[tilespmem:$0x18800] =	vst v63  }
0x273: {  	s1 =	simm.s32 $0x8000  }
0x274: {  	[hbm4b:s19+s4] =	stream.indirect_vreg.scatter [tilespmem:s1], [sflag:$0x2], $0x80, v3, vm0, $0xb8;
	[tilespmem:$0x18800] =	vst v63  }
0x275: {  	_ =	swait.ge [sflag:s30], $0x8000  }
0x276: {  	[sflag:s30] =	ssyncset.done $0x0  }
0x277: {  	[sflag:s30] =	ssyncadd.s32 $0xFFFF8000  }
0x278: {  	v3 =	vld [tilespmem:$0x380];
	_ =	sdelay $0x4  }
0x279: {  	v63 =	vshll.u32 v3, $0x4  }
0x27a: {  	v3 =	vand.u32 $0x7, v3;
	v4 =	vand.u32 $0xFFFFFF80, v63  }
0x27b: {  	v3 =	vor.u32 v3, v4  }
0x27c: {  	v4 =	vperm.xlane v3, v0;
	_ =	sdelay $0x1  }
0x27d: {  	v4 =	vadd.s32 v1, v4;
	_ =	sdelay $0x3  }
0x27e: {  	s1 =	simm.s32 $0x8800  }
0x27f: {  	[hbm4b:s2+s4] =	stream.indirect_vreg.scatter [tilespmem:s1], [sflag:$0x2], $0x80, v4, vm0, $0xb8;
	[tilespmem:$0x18800] =	vst v63  }
0x280: {  	s1 =	simm.s32 $0x9000  }
0x281: {  	[hbm4b:s13+s4] =	stream.indirect_vreg.scatter [tilespmem:s1], [sflag:$0x2], $0x80, v4, vm0, $0xb8;
	[tilespmem:$0x18800] =	vst v63  }
0x282: {  	s3 =	simm.s32 $0x9800  }
0x283: {  	[hbm4b:s14+s4] =	stream.indirect_vreg.scatter [tilespmem:s3], [sflag:$0x2], $0x80, v4, vm0, $0xb8;
	[tilespmem:$0x18800] =	vst v63  }
0x284: {  	s20 =	simm.s32 $0xA000  }
0x285: {  	[hbm4b:s15+s4] =	stream.indirect_vreg.scatter [tilespmem:s20], [sflag:$0x2], $0x80, v4, vm0, $0xb8;
	[tilespmem:$0x18800] =	vst v63  }
0x286: {  	s6 =	simm.s32 $0xA800  }
0x287: {  	[hbm4b:s16+s4] =	stream.indirect_vreg.scatter [tilespmem:s6], [sflag:$0x2], $0x80, v4, vm0, $0xb8;
	[tilespmem:$0x18800] =	vst v63  }
0x288: {  	s5 =	simm.s32 $0xB000;
	v3 =	vperm.xlane v3, v2  }
0x289: {  	[hbm4b:s17+s4] =	stream.indirect_vreg.scatter [tilespmem:s5], [sflag:$0x2], $0x80, v4, vm0, $0xb8;
	[tilespmem:$0x18800] =	vst v63  }
0x28a: {  	s24 =	simm.s32 $0xB800;
	v3 =	vadd.s32 v1, v3  }
0x28b: {  	[hbm4b:s18+s4] =	stream.indirect_vreg.scatter [tilespmem:s24], [sflag:$0x2], $0x80, v4, vm0, $0xb8;
	[tilespmem:$0x18800] =	vst v63  }
0x28c: {  	s21 =	simm.s32 $0xC000  }
0x28d: {  	[hbm4b:s19+s4] =	stream.indirect_vreg.scatter [tilespmem:s21], [sflag:$0x2], $0x80, v4, vm0, $0xb8;
	[tilespmem:$0x18800] =	vst v63  }
0x28e: {  	s26 =	simm.s32 $0xC800  }
0x28f: {  	[hbm4b:s2+s4] =	stream.indirect_vreg.scatter [tilespmem:s26], [sflag:$0x2], $0x80, v3, vm0, $0xb8;
	[tilespmem:$0x18800] =	vst v63  }
0x290: {  	s23 =	simm.s32 $0xD000  }
0x291: {  	[hbm4b:s13+s4] =	stream.indirect_vreg.scatter [tilespmem:s23], [sflag:$0x2], $0x80, v3, vm0, $0xb8;
	[tilespmem:$0x18800] =	vst v63  }
0x292: {  	s29 =	simm.s32 $0xD800  }
0x293: {  	[hbm4b:s14+s4] =	stream.indirect_vreg.scatter [tilespmem:s29], [sflag:$0x2], $0x80, v3, vm0, $0xb8;
	[tilespmem:$0x18800] =	vst v63  }
0x294: {  	s25 =	simm.s32 $0xE000  }
0x295: {  	[hbm4b:s15+s4] =	stream.indirect_vreg.scatter [tilespmem:s25], [sflag:$0x2], $0x80, v3, vm0, $0xb8;
	[tilespmem:$0x18800] =	vst v63  }
0x296: {  	s31 =	simm.s32 $0xE800  }
0x297: {  	[hbm4b:s16+s4] =	stream.indirect_vreg.scatter [tilespmem:s31], [sflag:$0x2], $0x80, v3, vm0, $0xb8;
	[tilespmem:$0x18800] =	vst v63  }
0x298: {  	s22 =	simm.s32 $0xF000  }
0x299: {  	[hbm4b:s17+s4] =	stream.indirect_vreg.scatter [tilespmem:s22], [sflag:$0x2], $0x80, v3, vm0, $0xb8;
	[tilespmem:$0x18800] =	vst v63  }
0x29a: {  	s29 =	simm.s32 $0xF800  }
0x29b: {  	[hbm4b:s18+s4] =	stream.indirect_vreg.scatter [tilespmem:s29], [sflag:$0x2], $0x80, v3, vm0, $0xb8;
	[tilespmem:$0x18800] =	vst v63  }
0x29c: {  	s31 =	simm.s32 $0x10000  }
0x29d: {  	[hbm4b:s19+s4] =	stream.indirect_vreg.scatter [tilespmem:s31], [sflag:$0x2], $0x80, v3, vm0, $0xb8;
	[tilespmem:$0x18800] =	vst v63  }
0x29e: {  	s1 =	rddreg [dreg:$0x7];
	_ =	swait.ge [sflag:s0], $0x8000  }
0x29f: {  	[sflag:s0] =	ssyncset.done $0x0  }
0x2a0: {  	[sflag:s0] =	ssyncadd.s32 $0xFFFF8000  }
0x2a1: {  	p0 =	sne.s32 s1, $0x1;
	_ =	swait.ge [sflag:s0], $0x8000  }
.Ltmp0:
0x2a2: {  	[sflag:s0] =	ssyncset.done $0x0;
	(pc) =	sbr.rel @p0 .LBB2_1-.Ltmp0, $4  }
0x2a3: {  	[sflag:s0] =	ssyncadd.s32 $0xFFFF8000  }
0x2a4: {  	_ =	swait.ge [sflag:s0], $0x8000  }
0x2a5: {  	[sflag:s0] =	ssyncset.done $0x0  }
0x2a6: {  	s1 =	sadd.s32 $0xFFFFFFFF, s1;
	[sflag:s0] =	ssyncadd.s32 $0xFFFF8000  }
0x2a7: {  	_ =	sfence.sel $0x180000  }
0x2a8: {  	[bflag:$0x0] =	sbarrier.arrive $0xFFFF  }
0x2a9: {  	_ =	strace $0x90000047  }
0x2aa: {  	s0 =	stileid.u32;
	[bflag:$0x2] =	sbarrier.arrive $0xFFFF  }
0x2ab: {  	p0 =	sne.s32 s0, $0x0;
	s0 =	rddreg [dreg:$0x3]  }
0x2ac: {  	s0 =	sadd.s32 @!p0 $0x100000, s0  }
0x2ad: {  	[sflag:s0] =	ssyncadd.tile.s32 @!p0 $0x1;
	_ =	shalt  }
.Lfunc_end2:
_tile_overlayer_lowered:
.L_overlay_start_2:
0x2ae: {  	(tag) =	ssettag $0x2  }
0x2af: {  	s0 =	rddreg [dreg:$0x0];
	s2 =	stileid.u32  }
0x2b0: {  	s1 =	rddreg [dreg:$0x1];
	p0 =	sne.s32 s2, $0x0  }
0x2b1: {  	s3 =	rddreg [dreg:$0x2];
	[bflag:$0x3] =	sbarrier.arrive $0xFFFF;
	s2 =	simm.s32 @!p0 $0x1C03  }
0x2b2: {  	[timem:s3], [sflag:s2] =	dma.local @!p0 [hbm:s0], s1  }
0x2b3: {  	s0 =	simm.s32 @!p0 $0x3  }
0x2b4: {  	_ =	swait.ge @!p0 [sflag:s0], s1  }
0x2b5: {  	s1 =	ssub.s32 @!p0 $0x0, s1;
	[sflag:s0] =	ssyncset.done @!p0 $0x0  }
0x2b6: {  	[sflag:s0] =	ssyncadd.s32 @!p0 s1  }
0x2b7: {  	[bflag:$0x3] =	sbarrier.arrive $0xFFFF  }
0x2b8: {  	_ =	shalt  }

</sc_bundles>
